<compile_context>
chip_gen: v7x
topology: tpu7x:2x2x1
jax: 0.10.2.dev20260603
libtpu: 0.0.44.dev20260713+nightly
codegen_flags: <defaults>
</compile_context>

<pallas_src>
import functools

import jax
import jax.numpy as jnp
import numpy as np
from jax import lax
from jax.experimental import pallas as pl
from jax.experimental.pallas import tpu as pltpu
from jax.experimental.pallas import tpu_sc as plsc

N = 10000
E = 320000
D = 128
H = 8
C = 16

NC = 2
NS = 16
NW = NC * NS
EPW = E // NW
EB = 40
GB = 8
ZGRP = 16
NG = EB // GB
NCHUNK = EPW // EB
NPAD = 10240
DROWS = NPAD // 8
TROWS = NPAD + DROWS
NROWS_PER_SUB = NPAD // NS
DROWS_PER_SUB = DROWS // NS
ZROWS_PER_SUB = TROWS // NS
DRAIN_ROWS = 128

QK_SCALE = 1.0 / np.sqrt(float(C))


def _qkv_body(x_ref, w_ref, s_ref, aux_ref, q_ref, kv_ref):
    y = jnp.dot(x_ref[...], w_ref[...], preferred_element_type=jnp.float32)
    g = jnp.dot(y * y, s_ref[...], preferred_element_type=jnp.float32)
    z = y * lax.rsqrt(g + aux_ref[0]) * aux_ref[1]
    q_ref[...] = z[:, :D]
    kv_ref[...] = z[:, D:]


def _qkv(x, Wqkv, S, aux):
    blk = 1000
    return pl.pallas_call(
        _qkv_body,
        grid=(N // blk,),
        in_specs=[
            pl.BlockSpec((blk, D), lambda i: (i, 0)),
            pl.BlockSpec((D, 3 * D), lambda i: (0, 0)),
            pl.BlockSpec((3 * D, 3 * D), lambda i: (0, 0)),
            pl.BlockSpec((2, 3 * D), lambda i: (0, 0)),
        ],
        out_specs=[
            pl.BlockSpec((blk, D), lambda i: (i, 0)),
            pl.BlockSpec((blk, 2 * D), lambda i: (i, 0)),
        ],
        out_shape=[
            jax.ShapeDtypeStruct((N, D), jnp.float32),
            jax.ShapeDtypeStruct((N, 2 * D), jnp.float32),
        ],
    )(x, Wqkv, S, aux)


def _edge_proj_body(ea_ref, we_ref, e_ref):
    e_ref[...] = jnp.dot(ea_ref[...], we_ref[...],
                         preferred_element_type=jnp.float32)


def _edge_proj(edge_attr, We):
    blk = 4000
    return pl.pallas_call(
        _edge_proj_body,
        grid=(E // blk,),
        in_specs=[
            pl.BlockSpec((blk, D), lambda i: (i, 0)),
            pl.BlockSpec((D, D), lambda i: (0, 0)),
        ],
        out_specs=pl.BlockSpec((blk, D), lambda i: (i, 0)),
        out_shape=jax.ShapeDtypeStruct((E, D), jnp.float32),
    )(edge_attr, We)


def _edge_pass_body(src_hbm, dst_hbm, dstcat_hbm, q_hbm, kv_hbm, e_hbm,
                    ziota_hbm, num_hbm, den_hbm,
                    sv0, sv1, dv0, dv1, dcg0, dcg1, idzv, qv0, kvv, ev0,
                    cav, zbuf, acc_sh,
                    sem_i0, sem_i1, sem_g0, sem_kv, sem_sc):
    cid = lax.axis_index("c")
    sid = lax.axis_index("s")
    wid = sid * NC + cid
    lane = lax.iota(jnp.int32, 16)
    zero16 = jnp.zeros((16,), jnp.float32)
    svs = (sv0, sv1)
    dvs = (dv0, dv1)
    dcgs = (dcg0, dcg1)
    qvs = (qv0, qv0)
    evs = (ev0, ev0)
    sem_i = (sem_i0, sem_i1)
    sem_g = (sem_g0, sem_g0)

    def zfill(i, carry):
        for h in range(H):
            zbuf[i, pl.ds(h * 16, 16)] = zero16
        return carry

    lax.fori_loop(0, ZGRP, zfill, 0)

    def zscat(j, carry):
        off = sid * ZROWS_PER_SUB + j * ZGRP
        pltpu.sync_copy(ziota_hbm.at[pl.ds(off, ZGRP)], idzv)
        pltpu.sync_copy(zbuf, acc_sh.at[idzv])
        return carry

    lax.fori_loop(0, ZROWS_PER_SUB // ZGRP, zscat, 0)
    plsc.subcore_barrier()

    def _rbase(jc):
        return wid * (EPW // GB) + jc * NG

    def issue_idx(jc, b):
        jcc = jnp.minimum(jc, NCHUNK - 1)
        base = wid * EPW + jcc * EB
        ra = _rbase(jcc)
        ra_al = pl.multiple_of(ra - (ra & 7), 8)
        pltpu.async_copy(src_hbm.at[pl.ds(base, EB)], svs[b], sem_i[b])
        pltpu.async_copy(dst_hbm.at[pl.ds(base, EB)],
                         dvs[b].at[pl.ds(0, EB)], sem_i[b])
        pltpu.async_copy(dstcat_hbm.at[pl.ds(ra_al, 16)], dcgs[b], sem_i[b])

    def wait_idx(b):
        pltpu.make_async_copy(src_hbm.at[pl.ds(0, EB)], svs[b],
                              sem_i[b]).wait()
        pltpu.make_async_copy(dst_hbm.at[pl.ds(0, EB)],
                              dvs[b].at[pl.ds(0, EB)], sem_i[b]).wait()
        pltpu.make_async_copy(dstcat_hbm.at[pl.ds(0, 16)], dcgs[b],
                              sem_i[b]).wait()

    def issue_gathers(jc, b):
        jcc = jnp.minimum(jc, NCHUNK - 1)
        base = wid * EPW + jcc * EB
        pltpu.async_copy(q_hbm.at[dvs[b].at[pl.ds(0, EB)]], qvs[b],
                         sem_g[b])
        pltpu.async_copy(e_hbm.at[pl.ds(base, EB)], evs[b], sem_g[b])

    def wait_gathers(b):
        pltpu.make_async_copy(q_hbm.at[pl.ds(0, EB)], qvs[b],
                              sem_g[b]).wait()
        pltpu.make_async_copy(e_hbm.at[pl.ds(0, EB)], evs[b],
                              sem_g[b]).wait()

    issue_idx(0, 0)

    def outer(jo, carry):
        for b in (0, 1):
            jc = 2 * jo + b
            nb = 1 - b
            wait_idx(b)
            issue_idx(jc + 1, nb)
            cp_kv = pltpu.async_copy(kv_hbm.at[svs[b]], kvv, sem_kv)
            issue_gathers(jc, b)
            cp_kv.wait()
            wait_gathers(b)

            def edge(i, carry2):
                r_cv = ((i >> 3) << 4) + (i & 7)
                arow = zero16
                for h in range(H):
                    qh = qvs[b][i, pl.ds(h * 16, 16)]
                    kh = kvv[i, pl.ds(h * 16, 16)]
                    vh = kvv[i, pl.ds(D + h * 16, 16)]
                    eh = evs[b][i, pl.ds(h * 16, 16)]
                    t = qh * (kh + eh)
                    sh = jnp.sum(t) * QK_SCALE
                    a_h = jnp.exp(jnp.full((16,), sh, jnp.float32))
                    cav[r_cv, pl.ds(h * 16, 16)] = (vh + eh) * a_h
                    arow = jnp.where(lane == h, a_h, arow)
                slot = dvs[b][pl.ds(i, 16)][0] & 7
                for sl in range(8):
                    cav[r_cv + GB, pl.ds(sl * 16, 16)] = jnp.where(
                        slot == sl, arow, zero16)
                return carry2

            lax.fori_loop(0, EB, edge, 0)
            roff = _rbase(jnp.minimum(jc, NCHUNK - 1)) & 7
            scs = [
                pltpu.async_copy(cav.at[pl.ds(jg * 2 * GB, 2 * GB)],
                                 acc_sh.at[dcgs[b].at[jg + roff]], sem_sc,
                                 add=True)
                for jg in range(NG)
            ]
            for d in scs:
                d.wait()
        return carry

    lax.fori_loop(0, NCHUNK // 2, outer, 0)
    wait_idx(0)
    plsc.subcore_barrier()

    def drain_num(j, carry):
        off = sid * NROWS_PER_SUB + j * ZGRP
        pltpu.sync_copy(acc_sh.at[pl.ds(off, ZGRP)],
                        num_hbm.at[cid, pl.ds(off, ZGRP)])
        return carry

    lax.fori_loop(0, NROWS_PER_SUB // ZGRP, drain_num, 0)

    def drain_den(j, carry):
        doff = sid * DROWS_PER_SUB + j * ZGRP
        pltpu.sync_copy(acc_sh.at[pl.ds(NPAD + doff, ZGRP)],
                        den_hbm.at[cid, pl.ds(doff, ZGRP)])
        return carry

    lax.fori_loop(0, DROWS_PER_SUB // ZGRP, drain_den, 0)


def _edge_pass(src, dst, dstcat, q, kv, e, ziota):
    mesh = plsc.VectorSubcoreMesh(core_axis_name="c", subcore_axis_name="s")
    f = pl.kernel(
        _edge_pass_body,
        out_type=(
            jax.ShapeDtypeStruct((NC, NPAD, D), jnp.float32),
            jax.ShapeDtypeStruct((NC, DROWS, D), jnp.float32),
        ),
        mesh=mesh,
        scratch_types=[
            pltpu.VMEM((EB,), jnp.int32),
            pltpu.VMEM((EB,), jnp.int32),
            pltpu.VMEM((EB + 16,), jnp.int32),
            pltpu.VMEM((EB + 16,), jnp.int32),
            pltpu.VMEM((16, 2 * GB), jnp.int32),
            pltpu.VMEM((16, 2 * GB), jnp.int32),
            pltpu.VMEM((ZGRP,), jnp.int32),
            pltpu.VMEM((EB, D), jnp.float32),
            pltpu.VMEM((EB, 2 * D), jnp.float32),
            pltpu.VMEM((EB, D), jnp.float32),
            pltpu.VMEM((2 * EB, D), jnp.float32),
            pltpu.VMEM((ZGRP, D), jnp.float32),
            pltpu.VMEM_SHARED((TROWS, D), jnp.float32),
            pltpu.SemaphoreType.DMA,
            pltpu.SemaphoreType.DMA,
            pltpu.SemaphoreType.DMA,
            pltpu.SemaphoreType.DMA,
            pltpu.SemaphoreType.DMA,
        ],
        compiler_params=pltpu.CompilerParams(needs_layout_passes=False),
    )
    return f(src, dst, dstcat, q, kv, e, ziota)


def _out_body(num_ref, den_ref, b_ref, wo_ref, o_ref):
    nm = num_ref[0] + num_ref[1]
    dn = den_ref[0] + den_ref[1]
    dbc = jnp.dot(dn, b_ref[...], preferred_element_type=jnp.float32)
    r = nm / jnp.where(dbc > 0, dbc, 1.0)
    o_ref[...] = jnp.dot(r, wo_ref[...], preferred_element_type=jnp.float32)


def _out_proj(num, den, Bm, Wo):
    blk = 640
    return pl.pallas_call(
        _out_body,
        grid=(NPAD // blk,),
        in_specs=[
            pl.BlockSpec((2, blk, D), lambda i: (0, i, 0)),
            pl.BlockSpec((2, blk, 16), lambda i: (0, i, 0)),
            pl.BlockSpec((16, D), lambda i: (0, 0)),
            pl.BlockSpec((D, D), lambda i: (0, 0)),
        ],
        out_specs=pl.BlockSpec((blk, D), lambda i: (i, 0)),
        out_shape=jax.ShapeDtypeStruct((NPAD, D), jnp.float32),
    )(num, den, Bm, Wo)


def _norm_consts(w_q_norm, w_k_norm):
    S = np.zeros((3 * D, 3 * D), np.float32)
    for g in range(2 * D // C):
        S[g * C:(g + 1) * C, g * C:(g + 1) * C] = 1.0 / C
    epsvec = np.concatenate([np.full((2 * D,), 1e-6, np.float32),
                             np.ones((D,), np.float32)])
    wvec = jnp.concatenate([jnp.tile(w_q_norm, H), jnp.tile(w_k_norm, H),
                            jnp.ones((D,), jnp.float32)])
    aux = jnp.stack([jnp.asarray(epsvec), wvec])
    Bm = np.zeros((16, D), np.float32)
    for h in range(H):
        Bm[h, h * C:(h + 1) * C] = 1.0
    return jnp.asarray(S), aux, jnp.asarray(Bm)


def kernel(x, edge_index, edge_attr, Wq, Wk, Wv, We, Wo, w_q_norm, w_k_norm):
    Wqkv = jnp.concatenate([Wq, Wk, Wv], axis=1)
    S, aux, Bm = _norm_consts(w_q_norm, w_k_norm)
    q, kv = _qkv(x, Wqkv, S, aux)
    e = _edge_proj(edge_attr, We)
    src = edge_index[0]
    dst = edge_index[1]
    dstd = NPAD + lax.shift_right_logical(dst, 3)
    dstcat = jnp.concatenate([dst.reshape(-1, GB), dstd.reshape(-1, GB)],
                             axis=1)
    ziota = jnp.arange(TROWS, dtype=jnp.int32)
    num, den_packed = _edge_pass(src, dst, dstcat, q, kv, e, ziota)
    den = den_packed.reshape(NC, NPAD, 16)
    return _out_proj(num, den, Bm, Wo)[:N]

# --- scband reference (transcript-rebuilt; emitter-appended) ---
"""Pipeline reference for scband-graph-transformer-17111149707850 (READ-ONLY COPY).

The authoritative reference and input builder live on the scoring server;
editing this copy changes nothing except your own understanding.
"""

import jax, jax.numpy as jnp
import numpy as np

N = 10000
E = 320000
D = 128
H = 8
C = 16


def rms_norm(x, w, eps=1e-6):
    var = jnp.mean(x * x, axis=-1, keepdims=True)
    return x * jax.lax.rsqrt(var + eps) * w


def setup_inputs(seed: int = 0) -> dict:
    key = jax.random.key(seed)
    ks = jax.random.split(key, 9)
    x = jax.random.normal(ks[0], (N, D), dtype=jnp.float32)
    edge_index = jax.random.randint(ks[1], (2, E), 0, N, dtype=jnp.int32)
    edge_attr = jax.random.normal(ks[2], (E, D), dtype=jnp.float32)
    scale = 1.0 / np.sqrt(D)
    Wq = jax.random.normal(ks[3], (D, D), dtype=jnp.float32) * scale
    Wk = jax.random.normal(ks[4], (D, D), dtype=jnp.float32) * scale
    Wv = jax.random.normal(ks[5], (D, D), dtype=jnp.float32) * scale
    We = jax.random.normal(ks[6], (D, D), dtype=jnp.float32) * scale
    Wo = jax.random.normal(ks[7], (D, D), dtype=jnp.float32) * scale
    w_q_norm = jnp.ones((C,), dtype=jnp.float32)
    w_k_norm = jnp.ones((C,), dtype=jnp.float32)
    return {"x": x, "edge_index": edge_index, "edge_attr": edge_attr,
            "Wq": Wq, "Wk": Wk, "Wv": Wv, "We": We, "Wo": Wo,
            "w_q_norm": w_q_norm, "w_k_norm": w_k_norm}


def reference(x, edge_index, edge_attr, Wq, Wk, Wv, We, Wo, w_q_norm, w_k_norm):
    n = x.shape[0]
    q = (x @ Wq).reshape(n, H, C)
    k = (x @ Wk).reshape(n, H, C)
    v = (x @ Wv).reshape(n, H, C)
    # qk_norm == 1 -> RMSNorm with elementwise affine on head channels
    q = rms_norm(q, w_q_norm)
    k = rms_norm(k, w_k_norm)
    e = (edge_attr @ We).reshape(-1, H, C)
    src = edge_index[0]
    dst = edge_index[1]
    # gather per-edge features (SparseCore gather)
    q_dst = jnp.take(q, dst, axis=0)
    k_src = jnp.take(k, src, axis=0)
    v_src = jnp.take(v, src, axis=0)
    ke = k_src + e
    ve = v_src + e
    qk_scale = 1.0 / np.sqrt(float(C))
    s = jnp.sum(q_dst * ke, axis=-1) * qk_scale  # [E, H]
    # numerically-stable per-dst softmax via segment max (M in the kernel)
    m = jax.ops.segment_max(s, dst, num_segments=n)
    m = jnp.where(jnp.isfinite(m), m, 0.0)
    alpha = jnp.exp(s - jnp.take(m, dst, axis=0))  # [E, H]
    denom = jax.ops.segment_sum(alpha, dst, num_segments=n)  # [N, H]
    num = jax.ops.segment_sum(alpha[..., None] * ve, dst, num_segments=n)  # [N, H, C]
    out = num / jnp.where(denom > 0, denom, 1.0)[..., None]
    out = out.reshape(n, H * C) @ Wo
    return out

if __name__ == "__main__":
    import jax
    _d = setup_inputs()
    print(jax.jit(kernel)(*tuple(_d.values())))

</pallas_src>

<mosaic_0001>
#map = affine_map<(d0, d1) -> (0)>
#map1 = affine_map<(d0, d1) -> (0, 0)>
#map2 = affine_map<(d0, d1) -> (0, 0, 0)>
module attributes {stable_mosaic.version = 14 : i64} {
  func.func @_edge_pass_body(%arg0: i32, %arg1: i32, %arg2: memref<320000xi32, #tpu.memory_space<hbm>>, %arg3: memref<320000xi32, #tpu.memory_space<hbm>>, %arg4: memref<40000x16xi32, #tpu.memory_space<hbm>>, %arg5: memref<10000x128xf32, #tpu.memory_space<hbm>>, %arg6: memref<10000x256xf32, #tpu.memory_space<hbm>>, %arg7: memref<320000x128xf32, #tpu.memory_space<hbm>>, %arg8: memref<11520xi32, #tpu.memory_space<hbm>>, %arg9: memref<2x10240x128xf32, #tpu.memory_space<hbm>>, %arg10: memref<2x1280x128xf32, #tpu.memory_space<hbm>>, %arg11: memref<40xi32, #tpu.memory_space<vmem>>, %arg12: memref<40xi32, #tpu.memory_space<vmem>>, %arg13: memref<56xi32, #tpu.memory_space<vmem>>, %arg14: memref<56xi32, #tpu.memory_space<vmem>>, %arg15: memref<16x16xi32, #tpu.memory_space<vmem>>, %arg16: memref<16x16xi32, #tpu.memory_space<vmem>>, %arg17: memref<16xi32, #tpu.memory_space<vmem>>, %arg18: memref<40x128xf32, #tpu.memory_space<vmem>>, %arg19: memref<40x256xf32, #tpu.memory_space<vmem>>, %arg20: memref<40x128xf32, #tpu.memory_space<vmem>>, %arg21: memref<80x128xf32, #tpu.memory_space<vmem>>, %arg22: memref<16x128xf32, #tpu.memory_space<vmem>>, %arg23: memref<11520x128xf32, #tpu.memory_space<vmem_shared>>, %arg24: memref<!tpu.dma_semaphore, #tpu.memory_space<semaphore_mem>>, %arg25: memref<!tpu.dma_semaphore, #tpu.memory_space<semaphore_mem>>, %arg26: memref<!tpu.dma_semaphore, #tpu.memory_space<semaphore_mem>>, %arg27: memref<!tpu.dma_semaphore, #tpu.memory_space<semaphore_mem>>, %arg28: memref<!tpu.dma_semaphore, #tpu.memory_space<semaphore_mem>>) attributes {dimension_semantics = [#tpu.dimension_semantics<core_parallel>, #tpu.dimension_semantics<subcore_parallel>], iteration_bounds = array<i64: 2, 16>, scalar_prefetch = 0 : i64, scratch_operands = 18 : i64, tpu.core_type = #tpu.core_type<sc_vector_subcore>, window_params = [{transform_indices = #map}, {transform_indices = #map}, {transform_indices = #map1}, {transform_indices = #map1}, {transform_indices = #map1}, {transform_indices = #map1}, {transform_indices = #map}, {transform_indices = #map2}, {transform_indices = #map2}]} {
    %mul3A = arith.constant 2 : i32
    %mul3A_0 = arith.muli %arg1, %mul3A : i32
    %add3A = arith.addi %mul3A_0, %arg0 : i32
    %iota3A = tpu.iota {dimensions = array<i32: 0>} : vector<16xi32>
    %broadcast_in_dim3A = arith.constant 0.000000e+00 : f32
    %broadcast_in_dim3A_1 = vector.broadcast %broadcast_in_dim3A : f32 to vector<16xf32>
    %scan3A = arith.constant 0 : i32
    %scan3A_2 = arith.constant 0 : i32
    %scan3A_3 = arith.constant 16 : i32
    %scan3A_4 = arith.addi %scan3A_2, %scan3A_3 : i32
    %scan3A_5 = arith.constant 1 : i32
    scf.for %scan3A_73 = %scan3A_2 to %scan3A_4 step %scan3A_5  : i32 {
      %swap3A = arith.index_cast %scan3A_73 : i32 to index
      %swap3A_74 = arith.constant 0 : index
      %swap3A_75 = tpu.vector_load %arg22[%swap3A, %swap3A_74] {strides = array<i32>} : memref<16x128xf32, #tpu.memory_space<vmem>>, vector<16xf32>,
      tpu.vector_store %arg22[%swap3A, %swap3A_74], %broadcast_in_dim3A_1 {strides = array<i32>} : memref<16x128xf32, #tpu.memory_space<vmem>>, vector<16xf32>,
      %swap3A_76 = arith.index_cast %scan3A_73 : i32 to index
      %swap3A_77 = arith.constant 16 : index
      %swap3A_78 = tpu.vector_load %arg22[%swap3A_76, %swap3A_77] {strides = array<i32>} : memref<16x128xf32, #tpu.memory_space<vmem>>, vector<16xf32>,
      tpu.vector_store %arg22[%swap3A_76, %swap3A_77], %broadcast_in_dim3A_1 {strides = array<i32>} : memref<16x128xf32, #tpu.memory_space<vmem>>, vector<16xf32>,
      %swap3A_79 = arith.index_cast %scan3A_73 : i32 to index
      %swap3A_80 = arith.constant 32 : index
      %swap3A_81 = tpu.vector_load %arg22[%swap3A_79, %swap3A_80] {strides = array<i32>} : memref<16x128xf32, #tpu.memory_space<vmem>>, vector<16xf32>,
      tpu.vector_store %arg22[%swap3A_79, %swap3A_80], %broadcast_in_dim3A_1 {strides = array<i32>} : memref<16x128xf32, #tpu.memory_space<vmem>>, vector<16xf32>,
      %swap3A_82 = arith.index_cast %scan3A_73 : i32 to index
      %swap3A_83 = arith.constant 48 : index
      %swap3A_84 = tpu.vector_load %arg22[%swap3A_82, %swap3A_83] {strides = array<i32>} : memref<16x128xf32, #tpu.memory_space<vmem>>, vector<16xf32>,
      tpu.vector_store %arg22[%swap3A_82, %swap3A_83], %broadcast_in_dim3A_1 {strides = array<i32>} : memref<16x128xf32, #tpu.memory_space<vmem>>, vector<16xf32>,
      %swap3A_85 = arith.index_cast %scan3A_73 : i32 to index
      %swap3A_86 = arith.constant 64 : index
      %swap3A_87 = tpu.vector_load %arg22[%swap3A_85, %swap3A_86] {strides = array<i32>} : memref<16x128xf32, #tpu.memory_space<vmem>>, vector<16xf32>,
      tpu.vector_store %arg22[%swap3A_85, %swap3A_86], %broadcast_in_dim3A_1 {strides = array<i32>} : memref<16x128xf32, #tpu.memory_space<vmem>>, vector<16xf32>,
      %swap3A_88 = arith.index_cast %scan3A_73 : i32 to index
      %swap3A_89 = arith.constant 80 : index
      %swap3A_90 = tpu.vector_load %arg22[%swap3A_88, %swap3A_89] {strides = array<i32>} : memref<16x128xf32, #tpu.memory_space<vmem>>, vector<16xf32>,
      tpu.vector_store %arg22[%swap3A_88, %swap3A_89], %broadcast_in_dim3A_1 {strides = array<i32>} : memref<16x128xf32, #tpu.memory_space<vmem>>, vector<16xf32>,
      %swap3A_91 = arith.index_cast %scan3A_73 : i32 to index
      %swap3A_92 = arith.constant 96 : index
      %swap3A_93 = tpu.vector_load %arg22[%swap3A_91, %swap3A_92] {strides = array<i32>} : memref<16x128xf32, #tpu.memory_space<vmem>>, vector<16xf32>,
      tpu.vector_store %arg22[%swap3A_91, %swap3A_92], %broadcast_in_dim3A_1 {strides = array<i32>} : memref<16x128xf32, #tpu.memory_space<vmem>>, vector<16xf32>,
      %swap3A_94 = arith.index_cast %scan3A_73 : i32 to index
      %swap3A_95 = arith.constant 112 : index
      %swap3A_96 = tpu.vector_load %arg22[%swap3A_94, %swap3A_95] {strides = array<i32>} : memref<16x128xf32, #tpu.memory_space<vmem>>, vector<16xf32>,
      tpu.vector_store %arg22[%swap3A_94, %swap3A_95], %broadcast_in_dim3A_1 {strides = array<i32>} : memref<16x128xf32, #tpu.memory_space<vmem>>, vector<16xf32>,
    }
    %scan3A_6 = arith.constant 16 : i32
    %scan3A_7 = arith.constant 0 : i32
    %scan3A_8 = arith.constant 0 : i32
    %scan3A_9 = arith.constant 45 : i32
    %scan3A_10 = arith.addi %scan3A_8, %scan3A_9 : i32
    %scan3A_11 = arith.constant 1 : i32
    scf.for %scan3A_73 = %scan3A_8 to %scan3A_10 step %scan3A_11  : i32 {
      %mul3A_74 = arith.constant 720 : i32
      %mul3A_75 = arith.muli %arg1, %mul3A_74 : i32
      %mul3A_76 = arith.constant 16 : i32
      %mul3A_77 = arith.muli %scan3A_73, %mul3A_76 : i32
      %add3A_78 = arith.addi %mul3A_75, %mul3A_77 : i32
      "tpu.region"() ({
        %run_scoped3A = tpu.sem_alloc : memref<!tpu.dma_semaphore, #tpu.memory_space<semaphore_mem>>
        %dma_start3A_79 = tpu.memref_slice %arg8[%add3A_78] : memref<11520xi32, #tpu.memory_space<hbm>> -> memref<16xi32, #tpu.memory_space<hbm>>
        %dma_start3A_80 = tpu.memref_slice %arg8[%add3A_78] : memref<11520xi32, #tpu.memory_space<hbm>> -> memref<16xi32, #tpu.memory_space<hbm>>
        tpu.enqueue_dma source(%dma_start3A_80 : memref<16xi32, #tpu.memory_space<hbm>>) target(%arg17 : memref<16xi32, #tpu.memory_space<vmem>>) target_semaphore(%run_scoped3A : memref<!tpu.dma_semaphore, #tpu.memory_space<semaphore_mem>>)
        %dma_wait3A_81 = tpu.memref_slice %arg8[%add3A_78] : memref<11520xi32, #tpu.memory_space<hbm>> -> memref<16xi32, #tpu.memory_space<hbm>>
        %dma_wait3A_82 = tpu.memref_slice %arg8[%add3A_78] : memref<11520xi32, #tpu.memory_space<hbm>> -> memref<16xi32, #tpu.memory_space<hbm>>
        tpu.wait_dma2 semaphore(%run_scoped3A : memref<!tpu.dma_semaphore, #tpu.memory_space<semaphore_mem>>) src(%dma_wait3A_82 : memref<16xi32, #tpu.memory_space<hbm>>) dst(%arg17 : memref<16xi32, #tpu.memory_space<vmem>>)
        tpu.yield
      }) : () -> ()
      "tpu.region"() ({
        %run_scoped3A = tpu.sem_alloc : memref<!tpu.dma_semaphore, #tpu.memory_space<semaphore_mem>>
        %dma_start3A_79 = arith.constant 0 : i32
        %dma_start3A_80 = arith.constant 0 : i32
        %dma_start3A_81 = tpu.memref_slice %arg23[%dma_start3A_79, %dma_start3A_80] : memref<11520x128xf32, #tpu.memory_space<vmem_shared>> -> memref<11520x128xf32, #tpu.memory_space<vmem_shared>>
        tpu.enqueue_indirect_dma source(%arg22 : memref<16x128xf32, #tpu.memory_space<vmem>>) target(%dma_start3A_81 : memref<11520x128xf32, #tpu.memory_space<vmem_shared>>) offsets(%arg17 : memref<16xi32, #tpu.memory_space<vmem>>) semaphore(%run_scoped3A : memref<!tpu.dma_semaphore, #tpu.memory_space<semaphore_mem>>)
        %dma_wait3A_82 = arith.constant 0 : i32
        %dma_wait3A_83 = arith.constant 0 : i32
        %dma_wait3A_84 = tpu.memref_slice %arg23[%dma_wait3A_82, %dma_wait3A_83] : memref<11520x128xf32, #tpu.memory_space<vmem_shared>> -> memref<11520x128xf32, #tpu.memory_space<vmem_shared>>
        tpu.wait_indirect_dma semaphore(%run_scoped3A : memref<!tpu.dma_semaphore, #tpu.memory_space<semaphore_mem>>) src(%arg22 : memref<16x128xf32, #tpu.memory_space<vmem>>) dst(%dma_wait3A_84 : memref<11520x128xf32, #tpu.memory_space<vmem_shared>>)
        tpu.yield
      }) : () -> ()
    }
    %scan3A_12 = arith.constant 45 : i32
    %barrier3A = arith.constant 0 : index
    tpu.barrier barrier_id(%barrier3A)
    %min3A = arith.constant 0 : i32
    %min3A_13 = arith.constant 249 : i32
    %min3A_14 = arith.minsi %min3A, %min3A_13 : i32
    %mul3A_15 = arith.constant 10000 : i32
    %mul3A_16 = arith.muli %add3A, %mul3A_15 : i32
    %mul3A_17 = arith.constant 40 : i32
    %mul3A_18 = arith.muli %min3A_14, %mul3A_17 : i32
    %add3A_19 = arith.addi %mul3A_16, %mul3A_18 : i32
    %mul3A_20 = arith.constant 1250 : i32
    %mul3A_21 = arith.muli %add3A, %mul3A_20 : i32
    %mul3A_22 = arith.constant 5 : i32
    %mul3A_23 = arith.muli %min3A_14, %mul3A_22 : i32
    %add3A_24 = arith.addi %mul3A_21, %mul3A_23 : i32
    %and3A = arith.constant 7 : i32
    %and3A_25 = arith.andi %add3A_24, %and3A : i32
    %sub3A = arith.subi %add3A_24, %and3A_25 : i32
    %multiple_of3A = tpu.assume_multiple %sub3A, 8 : i32
    %dma_start3A = tpu.memref_slice %arg2[%add3A_19] : memref<320000xi32, #tpu.memory_space<hbm>> -> memref<40xi32, #tpu.memory_space<hbm>>
    %dma_start3A_26 = tpu.memref_slice %arg2[%add3A_19] : memref<320000xi32, #tpu.memory_space<hbm>> -> memref<40xi32, #tpu.memory_space<hbm>>
    tpu.enqueue_dma source(%dma_start3A_26 : memref<40xi32, #tpu.memory_space<hbm>>) target(%arg11 : memref<40xi32, #tpu.memory_space<vmem>>) target_semaphore(%arg24 : memref<!tpu.dma_semaphore, #tpu.memory_space<semaphore_mem>>)
    %dma_start3A_27 = arith.constant 0 : i32
    %dma_start3A_28 = tpu.memref_slice %arg13[%dma_start3A_27] : memref<56xi32, #tpu.memory_space<vmem>> -> memref<40xi32, #tpu.memory_space<vmem>>
    %dma_start3A_29 = tpu.memref_slice %arg3[%add3A_19] : memref<320000xi32, #tpu.memory_space<hbm>> -> memref<40xi32, #tpu.memory_space<hbm>>
    %dma_start3A_30 = arith.constant 0 : i32
    %dma_start3A_31 = tpu.memref_slice %arg13[%dma_start3A_30] : memref<56xi32, #tpu.memory_space<vmem>> -> memref<40xi32, #tpu.memory_space<vmem>>
    %dma_start3A_32 = tpu.memref_slice %arg3[%add3A_19] : memref<320000xi32, #tpu.memory_space<hbm>> -> memref<40xi32, #tpu.memory_space<hbm>>
    tpu.enqueue_dma source(%dma_start3A_32 : memref<40xi32, #tpu.memory_space<hbm>>) target(%dma_start3A_31 : memref<40xi32, #tpu.memory_space<vmem>>) target_semaphore(%arg24 : memref<!tpu.dma_semaphore, #tpu.memory_space<semaphore_mem>>)
    %dma_start3A_33 = arith.constant 0 : i32
    %dma_start3A_34 = tpu.memref_slice %arg4[%multiple_of3A, %dma_start3A_33] : memref<40000x16xi32, #tpu.memory_space<hbm>> -> memref<16x16xi32, #tpu.memory_space<hbm>>
    %dma_start3A_35 = arith.constant 0 : i32
    %dma_start3A_36 = tpu.memref_slice %arg4[%multiple_of3A, %dma_start3A_35] : memref<40000x16xi32, #tpu.memory_space<hbm>> -> memref<16x16xi32, #tpu.memory_space<hbm>>
    tpu.enqueue_dma source(%dma_start3A_36 : memref<16x16xi32, #tpu.memory_space<hbm>>) target(%arg15 : memref<16x16xi32, #tpu.memory_space<vmem>>) target_semaphore(%arg24 : memref<!tpu.dma_semaphore, #tpu.memory_space<semaphore_mem>>)
    %scan3A_37 = arith.constant 0 : i32
    %scan3A_38 = arith.constant 0 : i32
    %scan3A_39 = arith.constant 125 : i32
    %scan3A_40 = arith.addi %scan3A_38, %scan3A_39 : i32
    %scan3A_41 = arith.constant 1 : i32
    scf.for %scan3A_73 = %scan3A_38 to %scan3A_40 step %scan3A_41  : i32 {
      %mul3A_74 = arith.constant 2 : i32
      %mul3A_75 = arith.muli %mul3A_74, %scan3A_73 : i32
      %add3A_76 = arith.constant 0 : i32
      %add3A_77 = arith.addi %mul3A_75, %add3A_76 : i32
      %dma_wait3A_78 = arith.constant 0 : i32
      %dma_wait3A_79 = tpu.memref_slice %arg2[%dma_wait3A_78] : memref<320000xi32, #tpu.memory_space<hbm>> -> memref<40xi32, #tpu.memory_space<hbm>>
      %dma_wait3A_80 = arith.constant 0 : i32
      %dma_wait3A_81 = tpu.memref_slice %arg2[%dma_wait3A_80] : memref<320000xi32, #tpu.memory_space<hbm>> -> memref<40xi32, #tpu.memory_space<hbm>>
      tpu.wait_dma2 semaphore(%arg24 : memref<!tpu.dma_semaphore, #tpu.memory_space<semaphore_mem>>) src(%dma_wait3A_81 : memref<40xi32, #tpu.memory_space<hbm>>) dst(%arg11 : memref<40xi32, #tpu.memory_space<vmem>>)
      %dma_wait3A_82 = arith.constant 0 : i32
      %dma_wait3A_83 = tpu.memref_slice %arg13[%dma_wait3A_82] : memref<56xi32, #tpu.memory_space<vmem>> -> memref<40xi32, #tpu.memory_space<vmem>>
      %dma_wait3A_84 = arith.constant 0 : i32
      %dma_wait3A_85 = tpu.memref_slice %arg3[%dma_wait3A_84] : memref<320000xi32, #tpu.memory_space<hbm>> -> memref<40xi32, #tpu.memory_space<hbm>>
      %dma_wait3A_86 = arith.constant 0 : i32
      %dma_wait3A_87 = tpu.memref_slice %arg13[%dma_wait3A_86] : memref<56xi32, #tpu.memory_space<vmem>> -> memref<40xi32, #tpu.memory_space<vmem>>
      %dma_wait3A_88 = arith.constant 0 : i32
      %dma_wait3A_89 = tpu.memref_slice %arg3[%dma_wait3A_88] : memref<320000xi32, #tpu.memory_space<hbm>> -> memref<40xi32, #tpu.memory_space<hbm>>
      tpu.wait_dma2 semaphore(%arg24 : memref<!tpu.dma_semaphore, #tpu.memory_space<semaphore_mem>>) src(%dma_wait3A_89 : memref<40xi32, #tpu.memory_space<hbm>>) dst(%dma_wait3A_87 : memref<40xi32, #tpu.memory_space<vmem>>)
      %dma_wait3A_90 = arith.constant 0 : i32
      %dma_wait3A_91 = arith.constant 0 : i32
      %dma_wait3A_92 = tpu.memref_slice %arg4[%dma_wait3A_90, %dma_wait3A_91] : memref<40000x16xi32, #tpu.memory_space<hbm>> -> memref<16x16xi32, #tpu.memory_space<hbm>>
      %dma_wait3A_93 = arith.constant 0 : i32
      %dma_wait3A_94 = arith.constant 0 : i32
      %dma_wait3A_95 = tpu.memref_slice %arg4[%dma_wait3A_93, %dma_wait3A_94] : memref<40000x16xi32, #tpu.memory_space<hbm>> -> memref<16x16xi32, #tpu.memory_space<hbm>>
      tpu.wait_dma2 semaphore(%arg24 : memref<!tpu.dma_semaphore, #tpu.memory_space<semaphore_mem>>) src(%dma_wait3A_95 : memref<16x16xi32, #tpu.memory_space<hbm>>) dst(%arg15 : memref<16x16xi32, #tpu.memory_space<vmem>>)
      %add3A_96 = arith.constant 1 : i32
      %add3A_97 = arith.addi %add3A_77, %add3A_96 : i32
      %min3A_98 = arith.constant 249 : i32
      %min3A_99 = arith.minsi %add3A_97, %min3A_98 : i32
      %mul3A_100 = arith.constant 10000 : i32
      %mul3A_101 = arith.muli %add3A, %mul3A_100 : i32
      %mul3A_102 = arith.constant 40 : i32
      %mul3A_103 = arith.muli %min3A_99, %mul3A_102 : i32
      %add3A_104 = arith.addi %mul3A_101, %mul3A_103 : i32
      %mul3A_105 = arith.constant 1250 : i32
      %mul3A_106 = arith.muli %add3A, %mul3A_105 : i32
      %mul3A_107 = arith.constant 5 : i32
      %mul3A_108 = arith.muli %min3A_99, %mul3A_107 : i32
      %add3A_109 = arith.addi %mul3A_106, %mul3A_108 : i32
      %and3A_110 = arith.constant 7 : i32
      %and3A_111 = arith.andi %add3A_109, %and3A_110 : i32
      %sub3A_112 = arith.subi %add3A_109, %and3A_111 : i32
      %multiple_of3A_113 = tpu.assume_multiple %sub3A_112, 8 : i32
      %dma_start3A_114 = tpu.memref_slice %arg2[%add3A_104] : memref<320000xi32, #tpu.memory_space<hbm>> -> memref<40xi32, #tpu.memory_space<hbm>>
      %dma_start3A_115 = tpu.memref_slice %arg2[%add3A_104] : memref<320000xi32, #tpu.memory_space<hbm>> -> memref<40xi32, #tpu.memory_space<hbm>>
      tpu.enqueue_dma source(%dma_start3A_115 : memref<40xi32, #tpu.memory_space<hbm>>) target(%arg12 : memref<40xi32, #tpu.memory_space<vmem>>) target_semaphore(%arg25 : memref<!tpu.dma_semaphore, #tpu.memory_space<semaphore_mem>>)
      %dma_start3A_116 = arith.constant 0 : i32
      %dma_start3A_117 = tpu.memref_slice %arg14[%dma_start3A_116] : memref<56xi32, #tpu.memory_space<vmem>> -> memref<40xi32, #tpu.memory_space<vmem>>
      %dma_start3A_118 = tpu.memref_slice %arg3[%add3A_104] : memref<320000xi32, #tpu.memory_space<hbm>> -> memref<40xi32, #tpu.memory_space<hbm>>
      %dma_start3A_119 = arith.constant 0 : i32
      %dma_start3A_120 = tpu.memref_slice %arg14[%dma_start3A_119] : memref<56xi32, #tpu.memory_space<vmem>> -> memref<40xi32, #tpu.memory_space<vmem>>
      %dma_start3A_121 = tpu.memref_slice %arg3[%add3A_104] : memref<320000xi32, #tpu.memory_space<hbm>> -> memref<40xi32, #tpu.memory_space<hbm>>
      tpu.enqueue_dma source(%dma_start3A_121 : memref<40xi32, #tpu.memory_space<hbm>>) target(%dma_start3A_120 : memref<40xi32, #tpu.memory_space<vmem>>) target_semaphore(%arg25 : memref<!tpu.dma_semaphore, #tpu.memory_space<semaphore_mem>>)
      %dma_start3A_122 = arith.constant 0 : i32
      %dma_start3A_123 = tpu.memref_slice %arg4[%multiple_of3A_113, %dma_start3A_122] : memref<40000x16xi32, #tpu.memory_space<hbm>> -> memref<16x16xi32, #tpu.memory_space<hbm>>
      %dma_start3A_124 = arith.constant 0 : i32
      %dma_start3A_125 = tpu.memref_slice %arg4[%multiple_of3A_113, %dma_start3A_124] : memref<40000x16xi32, #tpu.memory_space<hbm>> -> memref<16x16xi32, #tpu.memory_space<hbm>>
      tpu.enqueue_dma source(%dma_start3A_125 : memref<16x16xi32, #tpu.memory_space<hbm>>) target(%arg16 : memref<16x16xi32, #tpu.memory_space<vmem>>) target_semaphore(%arg25 : memref<!tpu.dma_semaphore, #tpu.memory_space<semaphore_mem>>)
      %dma_start3A_126 = arith.constant 0 : i32
      %dma_start3A_127 = arith.constant 0 : i32
      %dma_start3A_128 = tpu.memref_slice %arg6[%dma_start3A_126, %dma_start3A_127] : memref<10000x256xf32, #tpu.memory_space<hbm>> -> memref<10000x256xf32, #tpu.memory_space<hbm>>
      tpu.enqueue_indirect_dma source(%dma_start3A_128 : memref<10000x256xf32, #tpu.memory_space<hbm>>) target(%arg19 : memref<40x256xf32, #tpu.memory_space<vmem>>) offsets(%arg11 : memref<40xi32, #tpu.memory_space<vmem>>) semaphore(%arg27 : memref<!tpu.dma_semaphore, #tpu.memory_space<semaphore_mem>>)
      %min3A_129 = arith.constant 249 : i32
      %min3A_130 = arith.minsi %add3A_77, %min3A_129 : i32
      %mul3A_131 = arith.constant 10000 : i32
      %mul3A_132 = arith.muli %add3A, %mul3A_131 : i32
      %mul3A_133 = arith.constant 40 : i32
      %mul3A_134 = arith.muli %min3A_130, %mul3A_133 : i32
      %add3A_135 = arith.addi %mul3A_132, %mul3A_134 : i32
      %dma_start3A_136 = arith.constant 0 : i32
      %dma_start3A_137 = tpu.memref_slice %arg13[%dma_start3A_136] : memref<56xi32, #tpu.memory_space<vmem>> -> memref<40xi32, #tpu.memory_space<vmem>>
      %dma_start3A_138 = arith.constant 0 : i32
      %dma_start3A_139 = arith.constant 0 : i32
      %dma_start3A_140 = tpu.memref_slice %arg5[%dma_start3A_138, %dma_start3A_139] : memref<10000x128xf32, #tpu.memory_space<hbm>> -> memref<10000x128xf32, #tpu.memory_space<hbm>>
      tpu.enqueue_indirect_dma source(%dma_start3A_140 : memref<10000x128xf32, #tpu.memory_space<hbm>>) target(%arg18 : memref<40x128xf32, #tpu.memory_space<vmem>>) offsets(%dma_start3A_137 : memref<40xi32, #tpu.memory_space<vmem>>) semaphore(%arg26 : memref<!tpu.dma_semaphore, #tpu.memory_space<semaphore_mem>>)
      %dma_start3A_141 = arith.constant 0 : i32
      %dma_start3A_142 = tpu.memref_slice %arg7[%add3A_135, %dma_start3A_141] : memref<320000x128xf32, #tpu.memory_space<hbm>> -> memref<40x128xf32, #tpu.memory_space<hbm>>
      %dma_start3A_143 = arith.constant 0 : i32
      %dma_start3A_144 = tpu.memref_slice %arg7[%add3A_135, %dma_start3A_143] : memref<320000x128xf32, #tpu.memory_space<hbm>> -> memref<40x128xf32, #tpu.memory_space<hbm>>
      tpu.enqueue_dma source(%dma_start3A_144 : memref<40x128xf32, #tpu.memory_space<hbm>>) target(%arg20 : memref<40x128xf32, #tpu.memory_space<vmem>>) target_semaphore(%arg26 : memref<!tpu.dma_semaphore, #tpu.memory_space<semaphore_mem>>)
      %dma_wait3A_145 = arith.constant 0 : i32
      %dma_wait3A_146 = arith.constant 0 : i32
      %dma_wait3A_147 = tpu.memref_slice %arg6[%dma_wait3A_145, %dma_wait3A_146] : memref<10000x256xf32, #tpu.memory_space<hbm>> -> memref<10000x256xf32, #tpu.memory_space<hbm>>
      tpu.wait_indirect_dma semaphore(%arg27 : memref<!tpu.dma_semaphore, #tpu.memory_space<semaphore_mem>>) src(%dma_wait3A_147 : memref<10000x256xf32, #tpu.memory_space<hbm>>) dst(%arg19 : memref<40x256xf32, #tpu.memory_space<vmem>>)
      %dma_wait3A_148 = arith.constant 0 : i32
      %dma_wait3A_149 = arith.constant 0 : i32
      %dma_wait3A_150 = tpu.memref_slice %arg5[%dma_wait3A_148, %dma_wait3A_149] : memref<10000x128xf32, #tpu.memory_space<hbm>> -> memref<40x128xf32, #tpu.memory_space<hbm>>
      %dma_wait3A_151 = arith.constant 0 : i32
      %dma_wait3A_152 = arith.constant 0 : i32
      %dma_wait3A_153 = tpu.memref_slice %arg5[%dma_wait3A_151, %dma_wait3A_152] : memref<10000x128xf32, #tpu.memory_space<hbm>> -> memref<40x128xf32, #tpu.memory_space<hbm>>
      tpu.wait_dma2 semaphore(%arg26 : memref<!tpu.dma_semaphore, #tpu.memory_space<semaphore_mem>>) src(%dma_wait3A_153 : memref<40x128xf32, #tpu.memory_space<hbm>>) dst(%arg18 : memref<40x128xf32, #tpu.memory_space<vmem>>)
      %dma_wait3A_154 = arith.constant 0 : i32
      %dma_wait3A_155 = arith.constant 0 : i32
      %dma_wait3A_156 = tpu.memref_slice %arg7[%dma_wait3A_154, %dma_wait3A_155] : memref<320000x128xf32, #tpu.memory_space<hbm>> -> memref<40x128xf32, #tpu.memory_space<hbm>>
      %dma_wait3A_157 = arith.constant 0 : i32
      %dma_wait3A_158 = arith.constant 0 : i32
      %dma_wait3A_159 = tpu.memref_slice %arg7[%dma_wait3A_157, %dma_wait3A_158] : memref<320000x128xf32, #tpu.memory_space<hbm>> -> memref<40x128xf32, #tpu.memory_space<hbm>>
      tpu.wait_dma2 semaphore(%arg26 : memref<!tpu.dma_semaphore, #tpu.memory_space<semaphore_mem>>) src(%dma_wait3A_159 : memref<40x128xf32, #tpu.memory_space<hbm>>) dst(%arg20 : memref<40x128xf32, #tpu.memory_space<vmem>>)
      %scan3A_160 = arith.constant 0 : i32
      %scan3A_161 = arith.constant 0 : i32
      %scan3A_162 = arith.constant 40 : i32
      %scan3A_163 = arith.addi %scan3A_161, %scan3A_162 : i32
      %scan3A_164 = arith.constant 1 : i32
      scf.for %scan3A_476 = %scan3A_161 to %scan3A_163 step %scan3A_164  : i32 {
        %shift_right_arithmetic3A = arith.constant 3 : i32
        %shift_right_arithmetic3A_477 = arith.shrsi %scan3A_476, %shift_right_arithmetic3A : i32
        %shift_left3A = arith.constant 4 : i32
        %shift_left3A_478 = arith.shli %shift_right_arithmetic3A_477, %shift_left3A : i32
        %and3A_479 = arith.constant 7 : i32
        %and3A_480 = arith.andi %scan3A_476, %and3A_479 : i32
        %add3A_481 = arith.addi %shift_left3A_478, %and3A_480 : i32
        %get3A = arith.index_cast %scan3A_476 : i32 to index
        %get3A_482 = arith.constant 0 : index
        %get3A_483 = tpu.vector_load %arg18[%get3A, %get3A_482] {strides = array<i32>} : memref<40x128xf32, #tpu.memory_space<vmem>>, vector<16xf32>,
        %get3A_484 = arith.index_cast %scan3A_476 : i32 to index
        %get3A_485 = arith.constant 0 : index
        %get3A_486 = tpu.vector_load %arg19[%get3A_484, %get3A_485] {strides = array<i32>} : memref<40x256xf32, #tpu.memory_space<vmem>>, vector<16xf32>,
        %get3A_487 = arith.index_cast %scan3A_476 : i32 to index
        %get3A_488 = arith.constant 128 : index
        %get3A_489 = tpu.vector_load %arg19[%get3A_487, %get3A_488] {strides = array<i32>} : memref<40x256xf32, #tpu.memory_space<vmem>>, vector<16xf32>,
        %get3A_490 = arith.index_cast %scan3A_476 : i32 to index
        %get3A_491 = arith.constant 0 : index
        %get3A_492 = tpu.vector_load %arg20[%get3A_490, %get3A_491] {strides = array<i32>} : memref<40x128xf32, #tpu.memory_space<vmem>>, vector<16xf32>,
        %add3A_493 = arith.addf %get3A_486, %get3A_492 : vector<16xf32>
        %mul3A_494 = arith.mulf %get3A_483, %add3A_493 : vector<16xf32>
        %reduce_sum3A = arith.constant true
        %reduce_sum3A_495 = vector.broadcast %reduce_sum3A : i1 to vector<16xi1>
        %reduce_sum3A_496 = tpu.scan <sum>, %mul3A_494 masked %reduce_sum3A_495 : vector<16xf32>, vector<16xi1> -> vector<16xf32>
        %reduce_sum3A_497 = vector.extract %reduce_sum3A_496[15] : f32 from vector<16xf32>
        %mul3A_498 = arith.constant 2.500000e-01 : f32
        %mul3A_499 = arith.mulf %reduce_sum3A_497, %mul3A_498 : f32
        %broadcast_in_dim3A_500 = vector.broadcast %mul3A_499 : f32 to vector<16xf32>
        %exp3A = math.exp %broadcast_in_dim3A_500 : vector<16xf32>
        %add3A_501 = arith.addf %get3A_489, %get3A_492 : vector<16xf32>
        %mul3A_502 = arith.mulf %add3A_501, %exp3A : vector<16xf32>
        %swap3A = arith.index_cast %add3A_481 : i32 to index
        %swap3A_503 = arith.constant 0 : index
        %swap3A_504 = tpu.vector_load %arg21[%swap3A, %swap3A_503] {strides = array<i32>} : memref<80x128xf32, #tpu.memory_space<vmem>>, vector<16xf32>,
        tpu.vector_store %arg21[%swap3A, %swap3A_503], %mul3A_502 {strides = array<i32>} : memref<80x128xf32, #tpu.memory_space<vmem>>, vector<16xf32>,
        %eq3A = arith.constant 0 : i32
        %eq3A_505 = vector.broadcast %eq3A : i32 to vector<16xi32>
        %eq3A_506 = arith.cmpi eq, %iota3A, %eq3A_505 : vector<16xi32>
        %select_n3A = arith.select %eq3A_506, %exp3A, %broadcast_in_dim3A_1 : vector<16xi1>, vector<16xf32>
        %get3A_507 = arith.index_cast %scan3A_476 : i32 to index
        %get3A_508 = arith.constant 16 : index
        %get3A_509 = tpu.vector_load %arg18[%get3A_507, %get3A_508] {strides = array<i32>} : memref<40x128xf32, #tpu.memory_space<vmem>>, vector<16xf32>,
        %get3A_510 = arith.index_cast %scan3A_476 : i32 to index
        %get3A_511 = arith.constant 16 : index
        %get3A_512 = tpu.vector_load %arg19[%get3A_510, %get3A_511] {strides = array<i32>} : memref<40x256xf32, #tpu.memory_space<vmem>>, vector<16xf32>,
        %get3A_513 = arith.index_cast %scan3A_476 : i32 to index
        %get3A_514 = arith.constant 144 : index
        %get3A_515 = tpu.vector_load %arg19[%get3A_513, %get3A_514] {strides = array<i32>} : memref<40x256xf32, #tpu.memory_space<vmem>>, vector<16xf32>,
        %get3A_516 = arith.index_cast %scan3A_476 : i32 to index
        %get3A_517 = arith.constant 16 : index
        %get3A_518 = tpu.vector_load %arg20[%get3A_516, %get3A_517] {strides = array<i32>} : memref<40x128xf32, #tpu.memory_space<vmem>>, vector<16xf32>,
        %add3A_519 = arith.addf %get3A_512, %get3A_518 : vector<16xf32>
        %mul3A_520 = arith.mulf %get3A_509, %add3A_519 : vector<16xf32>
        %reduce_sum3A_521 = arith.constant true
        %reduce_sum3A_522 = vector.broadcast %reduce_sum3A_521 : i1 to vector<16xi1>
        %reduce_sum3A_523 = tpu.scan <sum>, %mul3A_520 masked %reduce_sum3A_522 : vector<16xf32>, vector<16xi1> -> vector<16xf32>
        %reduce_sum3A_524 = vector.extract %reduce_sum3A_523[15] : f32 from vector<16xf32>
        %mul3A_525 = arith.constant 2.500000e-01 : f32
        %mul3A_526 = arith.mulf %reduce_sum3A_524, %mul3A_525 : f32
        %broadcast_in_dim3A_527 = vector.broadcast %mul3A_526 : f32 to vector<16xf32>
        %exp3A_528 = math.exp %broadcast_in_dim3A_527 : vector<16xf32>
        %add3A_529 = arith.addf %get3A_515, %get3A_518 : vector<16xf32>
        %mul3A_530 = arith.mulf %add3A_529, %exp3A_528 : vector<16xf32>
        %swap3A_531 = arith.index_cast %add3A_481 : i32 to index
        %swap3A_532 = arith.constant 16 : index
        %swap3A_533 = tpu.vector_load %arg21[%swap3A_531, %swap3A_532] {strides = array<i32>} : memref<80x128xf32, #tpu.memory_space<vmem>>, vector<16xf32>,
        tpu.vector_store %arg21[%swap3A_531, %swap3A_532], %mul3A_530 {strides = array<i32>} : memref<80x128xf32, #tpu.memory_space<vmem>>, vector<16xf32>,
        %eq3A_534 = arith.constant 1 : i32
        %eq3A_535 = vector.broadcast %eq3A_534 : i32 to vector<16xi32>
        %eq3A_536 = arith.cmpi eq, %iota3A, %eq3A_535 : vector<16xi32>
        %select_n3A_537 = arith.select %eq3A_536, %exp3A_528, %select_n3A : vector<16xi1>, vector<16xf32>
        %get3A_538 = arith.index_cast %scan3A_476 : i32 to index
        %get3A_539 = arith.constant 32 : index
        %get3A_540 = tpu.vector_load %arg18[%get3A_538, %get3A_539] {strides = array<i32>} : memref<40x128xf32, #tpu.memory_space<vmem>>, vector<16xf32>,
        %get3A_541 = arith.index_cast %scan3A_476 : i32 to index
        %get3A_542 = arith.constant 32 : index
        %get3A_543 = tpu.vector_load %arg19[%get3A_541, %get3A_542] {strides = array<i32>} : memref<40x256xf32, #tpu.memory_space<vmem>>, vector<16xf32>,
        %get3A_544 = arith.index_cast %scan3A_476 : i32 to index
        %get3A_545 = arith.constant 160 : index
        %get3A_546 = tpu.vector_load %arg19[%get3A_544, %get3A_545] {strides = array<i32>} : memref<40x256xf32, #tpu.memory_space<vmem>>, vector<16xf32>,
        %get3A_547 = arith.index_cast %scan3A_476 : i32 to index
        %get3A_548 = arith.constant 32 : index
        %get3A_549 = tpu.vector_load %arg20[%get3A_547, %get3A_548] {strides = array<i32>} : memref<40x128xf32, #tpu.memory_space<vmem>>, vector<16xf32>,
        %add3A_550 = arith.addf %get3A_543, %get3A_549 : vector<16xf32>
        %mul3A_551 = arith.mulf %get3A_540, %add3A_550 : vector<16xf32>
        %reduce_sum3A_552 = arith.constant true
        %reduce_sum3A_553 = vector.broadcast %reduce_sum3A_552 : i1 to vector<16xi1>
        %reduce_sum3A_554 = tpu.scan <sum>, %mul3A_551 masked %reduce_sum3A_553 : vector<16xf32>, vector<16xi1> -> vector<16xf32>
        %reduce_sum3A_555 = vector.extract %reduce_sum3A_554[15] : f32 from vector<16xf32>
        %mul3A_556 = arith.constant 2.500000e-01 : f32
        %mul3A_557 = arith.mulf %reduce_sum3A_555, %mul3A_556 : f32
        %broadcast_in_dim3A_558 = vector.broadcast %mul3A_557 : f32 to vector<16xf32>
        %exp3A_559 = math.exp %broadcast_in_dim3A_558 : vector<16xf32>
        %add3A_560 = arith.addf %get3A_546, %get3A_549 : vector<16xf32>
        %mul3A_561 = arith.mulf %add3A_560, %exp3A_559 : vector<16xf32>
        %swap3A_562 = arith.index_cast %add3A_481 : i32 to index
        %swap3A_563 = arith.constant 32 : index
        %swap3A_564 = tpu.vector_load %arg21[%swap3A_562, %swap3A_563] {strides = array<i32>} : memref<80x128xf32, #tpu.memory_space<vmem>>, vector<16xf32>,
        tpu.vector_store %arg21[%swap3A_562, %swap3A_563], %mul3A_561 {strides = array<i32>} : memref<80x128xf32, #tpu.memory_space<vmem>>, vector<16xf32>,
        %eq3A_565 = arith.constant 2 : i32
        %eq3A_566 = vector.broadcast %eq3A_565 : i32 to vector<16xi32>
        %eq3A_567 = arith.cmpi eq, %iota3A, %eq3A_566 : vector<16xi32>
        %select_n3A_568 = arith.select %eq3A_567, %exp3A_559, %select_n3A_537 : vector<16xi1>, vector<16xf32>
        %get3A_569 = arith.index_cast %scan3A_476 : i32 to index
        %get3A_570 = arith.constant 48 : index
        %get3A_571 = tpu.vector_load %arg18[%get3A_569, %get3A_570] {strides = array<i32>} : memref<40x128xf32, #tpu.memory_space<vmem>>, vector<16xf32>,
        %get3A_572 = arith.index_cast %scan3A_476 : i32 to index
        %get3A_573 = arith.constant 48 : index
        %get3A_574 = tpu.vector_load %arg19[%get3A_572, %get3A_573] {strides = array<i32>} : memref<40x256xf32, #tpu.memory_space<vmem>>, vector<16xf32>,
        %get3A_575 = arith.index_cast %scan3A_476 : i32 to index
        %get3A_576 = arith.constant 176 : index
        %get3A_577 = tpu.vector_load %arg19[%get3A_575, %get3A_576] {strides = array<i32>} : memref<40x256xf32, #tpu.memory_space<vmem>>, vector<16xf32>,
        %get3A_578 = arith.index_cast %scan3A_476 : i32 to index
        %get3A_579 = arith.constant 48 : index
        %get3A_580 = tpu.vector_load %arg20[%get3A_578, %get3A_579] {strides = array<i32>} : memref<40x128xf32, #tpu.memory_space<vmem>>, vector<16xf32>,
        %add3A_581 = arith.addf %get3A_574, %get3A_580 : vector<16xf32>
        %mul3A_582 = arith.mulf %get3A_571, %add3A_581 : vector<16xf32>
        %reduce_sum3A_583 = arith.constant true
        %reduce_sum3A_584 = vector.broadcast %reduce_sum3A_583 : i1 to vector<16xi1>
        %reduce_sum3A_585 = tpu.scan <sum>, %mul3A_582 masked %reduce_sum3A_584 : vector<16xf32>, vector<16xi1> -> vector<16xf32>
        %reduce_sum3A_586 = vector.extract %reduce_sum3A_585[15] : f32 from vector<16xf32>
        %mul3A_587 = arith.constant 2.500000e-01 : f32
        %mul3A_588 = arith.mulf %reduce_sum3A_586, %mul3A_587 : f32
        %broadcast_in_dim3A_589 = vector.broadcast %mul3A_588 : f32 to vector<16xf32>
        %exp3A_590 = math.exp %broadcast_in_dim3A_589 : vector<16xf32>
        %add3A_591 = arith.addf %get3A_577, %get3A_580 : vector<16xf32>
        %mul3A_592 = arith.mulf %add3A_591, %exp3A_590 : vector<16xf32>
        %swap3A_593 = arith.index_cast %add3A_481 : i32 to index
        %swap3A_594 = arith.constant 48 : index
        %swap3A_595 = tpu.vector_load %arg21[%swap3A_593, %swap3A_594] {strides = array<i32>} : memref<80x128xf32, #tpu.memory_space<vmem>>, vector<16xf32>,
        tpu.vector_store %arg21[%swap3A_593, %swap3A_594], %mul3A_592 {strides = array<i32>} : memref<80x128xf32, #tpu.memory_space<vmem>>, vector<16xf32>,
        %eq3A_596 = arith.constant 3 : i32
        %eq3A_597 = vector.broadcast %eq3A_596 : i32 to vector<16xi32>
        %eq3A_598 = arith.cmpi eq, %iota3A, %eq3A_597 : vector<16xi32>
        %select_n3A_599 = arith.select %eq3A_598, %exp3A_590, %select_n3A_568 : vector<16xi1>, vector<16xf32>
        %get3A_600 = arith.index_cast %scan3A_476 : i32 to index
        %get3A_601 = arith.constant 64 : index
        %get3A_602 = tpu.vector_load %arg18[%get3A_600, %get3A_601] {strides = array<i32>} : memref<40x128xf32, #tpu.memory_space<vmem>>, vector<16xf32>,
        %get3A_603 = arith.index_cast %scan3A_476 : i32 to index
        %get3A_604 = arith.constant 64 : index
        %get3A_605 = tpu.vector_load %arg19[%get3A_603, %get3A_604] {strides = array<i32>} : memref<40x256xf32, #tpu.memory_space<vmem>>, vector<16xf32>,
        %get3A_606 = arith.index_cast %scan3A_476 : i32 to index
        %get3A_607 = arith.constant 192 : index
        %get3A_608 = tpu.vector_load %arg19[%get3A_606, %get3A_607] {strides = array<i32>} : memref<40x256xf32, #tpu.memory_space<vmem>>, vector<16xf32>,
        %get3A_609 = arith.index_cast %scan3A_476 : i32 to index
        %get3A_610 = arith.constant 64 : index
        %get3A_611 = tpu.vector_load %arg20[%get3A_609, %get3A_610] {strides = array<i32>} : memref<40x128xf32, #tpu.memory_space<vmem>>, vector<16xf32>,
        %add3A_612 = arith.addf %get3A_605, %get3A_611 : vector<16xf32>
        %mul3A_613 = arith.mulf %get3A_602, %add3A_612 : vector<16xf32>
        %reduce_sum3A_614 = arith.constant true
        %reduce_sum3A_615 = vector.broadcast %reduce_sum3A_614 : i1 to vector<16xi1>
        %reduce_sum3A_616 = tpu.scan <sum>, %mul3A_613 masked %reduce_sum3A_615 : vector<16xf32>, vector<16xi1> -> vector<16xf32>
        %reduce_sum3A_617 = vector.extract %reduce_sum3A_616[15] : f32 from vector<16xf32>
        %mul3A_618 = arith.constant 2.500000e-01 : f32
        %mul3A_619 = arith.mulf %reduce_sum3A_617, %mul3A_618 : f32
        %broadcast_in_dim3A_620 = vector.broadcast %mul3A_619 : f32 to vector<16xf32>
        %exp3A_621 = math.exp %broadcast_in_dim3A_620 : vector<16xf32>
        %add3A_622 = arith.addf %get3A_608, %get3A_611 : vector<16xf32>
        %mul3A_623 = arith.mulf %add3A_622, %exp3A_621 : vector<16xf32>
        %swap3A_624 = arith.index_cast %add3A_481 : i32 to index
        %swap3A_625 = arith.constant 64 : index
        %swap3A_626 = tpu.vector_load %arg21[%swap3A_624, %swap3A_625] {strides = array<i32>} : memref<80x128xf32, #tpu.memory_space<vmem>>, vector<16xf32>,
        tpu.vector_store %arg21[%swap3A_624, %swap3A_625], %mul3A_623 {strides = array<i32>} : memref<80x128xf32, #tpu.memory_space<vmem>>, vector<16xf32>,
        %eq3A_627 = arith.constant 4 : i32
        %eq3A_628 = vector.broadcast %eq3A_627 : i32 to vector<16xi32>
        %eq3A_629 = arith.cmpi eq, %iota3A, %eq3A_628 : vector<16xi32>
        %select_n3A_630 = arith.select %eq3A_629, %exp3A_621, %select_n3A_599 : vector<16xi1>, vector<16xf32>
        %get3A_631 = arith.index_cast %scan3A_476 : i32 to index
        %get3A_632 = arith.constant 80 : index
        %get3A_633 = tpu.vector_load %arg18[%get3A_631, %get3A_632] {strides = array<i32>} : memref<40x128xf32, #tpu.memory_space<vmem>>, vector<16xf32>,
        %get3A_634 = arith.index_cast %scan3A_476 : i32 to index
        %get3A_635 = arith.constant 80 : index
        %get3A_636 = tpu.vector_load %arg19[%get3A_634, %get3A_635] {strides = array<i32>} : memref<40x256xf32, #tpu.memory_space<vmem>>, vector<16xf32>,
        %get3A_637 = arith.index_cast %scan3A_476 : i32 to index
        %get3A_638 = arith.constant 208 : index
        %get3A_639 = tpu.vector_load %arg19[%get3A_637, %get3A_638] {strides = array<i32>} : memref<40x256xf32, #tpu.memory_space<vmem>>, vector<16xf32>,
        %get3A_640 = arith.index_cast %scan3A_476 : i32 to index
        %get3A_641 = arith.constant 80 : index
        %get3A_642 = tpu.vector_load %arg20[%get3A_640, %get3A_641] {strides = array<i32>} : memref<40x128xf32, #tpu.memory_space<vmem>>, vector<16xf32>,
        %add3A_643 = arith.addf %get3A_636, %get3A_642 : vector<16xf32>
        %mul3A_644 = arith.mulf %get3A_633, %add3A_643 : vector<16xf32>
        %reduce_sum3A_645 = arith.constant true
        %reduce_sum3A_646 = vector.broadcast %reduce_sum3A_645 : i1 to vector<16xi1>
        %reduce_sum3A_647 = tpu.scan <sum>, %mul3A_644 masked %reduce_sum3A_646 : vector<16xf32>, vector<16xi1> -> vector<16xf32>
        %reduce_sum3A_648 = vector.extract %reduce_sum3A_647[15] : f32 from vector<16xf32>
        %mul3A_649 = arith.constant 2.500000e-01 : f32
        %mul3A_650 = arith.mulf %reduce_sum3A_648, %mul3A_649 : f32
        %broadcast_in_dim3A_651 = vector.broadcast %mul3A_650 : f32 to vector<16xf32>
        %exp3A_652 = math.exp %broadcast_in_dim3A_651 : vector<16xf32>
        %add3A_653 = arith.addf %get3A_639, %get3A_642 : vector<16xf32>
        %mul3A_654 = arith.mulf %add3A_653, %exp3A_652 : vector<16xf32>
        %swap3A_655 = arith.index_cast %add3A_481 : i32 to index
        %swap3A_656 = arith.constant 80 : index
        %swap3A_657 = tpu.vector_load %arg21[%swap3A_655, %swap3A_656] {strides = array<i32>} : memref<80x128xf32, #tpu.memory_space<vmem>>, vector<16xf32>,
        tpu.vector_store %arg21[%swap3A_655, %swap3A_656], %mul3A_654 {strides = array<i32>} : memref<80x128xf32, #tpu.memory_space<vmem>>, vector<16xf32>,
        %eq3A_658 = arith.constant 5 : i32
        %eq3A_659 = vector.broadcast %eq3A_658 : i32 to vector<16xi32>
        %eq3A_660 = arith.cmpi eq, %iota3A, %eq3A_659 : vector<16xi32>
        %select_n3A_661 = arith.select %eq3A_660, %exp3A_652, %select_n3A_630 : vector<16xi1>, vector<16xf32>
        %get3A_662 = arith.index_cast %scan3A_476 : i32 to index
        %get3A_663 = arith.constant 96 : index
        %get3A_664 = tpu.vector_load %arg18[%get3A_662, %get3A_663] {strides = array<i32>} : memref<40x128xf32, #tpu.memory_space<vmem>>, vector<16xf32>,
        %get3A_665 = arith.index_cast %scan3A_476 : i32 to index
        %get3A_666 = arith.constant 96 : index
        %get3A_667 = tpu.vector_load %arg19[%get3A_665, %get3A_666] {strides = array<i32>} : memref<40x256xf32, #tpu.memory_space<vmem>>, vector<16xf32>,
        %get3A_668 = arith.index_cast %scan3A_476 : i32 to index
        %get3A_669 = arith.constant 224 : index
        %get3A_670 = tpu.vector_load %arg19[%get3A_668, %get3A_669] {strides = array<i32>} : memref<40x256xf32, #tpu.memory_space<vmem>>, vector<16xf32>,
        %get3A_671 = arith.index_cast %scan3A_476 : i32 to index
        %get3A_672 = arith.constant 96 : index
        %get3A_673 = tpu.vector_load %arg20[%get3A_671, %get3A_672] {strides = array<i32>} : memref<40x128xf32, #tpu.memory_space<vmem>>, vector<16xf32>,
        %add3A_674 = arith.addf %get3A_667, %get3A_673 : vector<16xf32>
        %mul3A_675 = arith.mulf %get3A_664, %add3A_674 : vector<16xf32>
        %reduce_sum3A_676 = arith.constant true
        %reduce_sum3A_677 = vector.broadcast %reduce_sum3A_676 : i1 to vector<16xi1>
        %reduce_sum3A_678 = tpu.scan <sum>, %mul3A_675 masked %reduce_sum3A_677 : vector<16xf32>, vector<16xi1> -> vector<16xf32>
        %reduce_sum3A_679 = vector.extract %reduce_sum3A_678[15] : f32 from vector<16xf32>
        %mul3A_680 = arith.constant 2.500000e-01 : f32
        %mul3A_681 = arith.mulf %reduce_sum3A_679, %mul3A_680 : f32
        %broadcast_in_dim3A_682 = vector.broadcast %mul3A_681 : f32 to vector<16xf32>
        %exp3A_683 = math.exp %broadcast_in_dim3A_682 : vector<16xf32>
        %add3A_684 = arith.addf %get3A_670, %get3A_673 : vector<16xf32>
        %mul3A_685 = arith.mulf %add3A_684, %exp3A_683 : vector<16xf32>
        %swap3A_686 = arith.index_cast %add3A_481 : i32 to index
        %swap3A_687 = arith.constant 96 : index
        %swap3A_688 = tpu.vector_load %arg21[%swap3A_686, %swap3A_687] {strides = array<i32>} : memref<80x128xf32, #tpu.memory_space<vmem>>, vector<16xf32>,
        tpu.vector_store %arg21[%swap3A_686, %swap3A_687], %mul3A_685 {strides = array<i32>} : memref<80x128xf32, #tpu.memory_space<vmem>>, vector<16xf32>,
        %eq3A_689 = arith.constant 6 : i32
        %eq3A_690 = vector.broadcast %eq3A_689 : i32 to vector<16xi32>
        %eq3A_691 = arith.cmpi eq, %iota3A, %eq3A_690 : vector<16xi32>
        %select_n3A_692 = arith.select %eq3A_691, %exp3A_683, %select_n3A_661 : vector<16xi1>, vector<16xf32>
        %get3A_693 = arith.index_cast %scan3A_476 : i32 to index
        %get3A_694 = arith.constant 112 : index
        %get3A_695 = tpu.vector_load %arg18[%get3A_693, %get3A_694] {strides = array<i32>} : memref<40x128xf32, #tpu.memory_space<vmem>>, vector<16xf32>,
        %get3A_696 = arith.index_cast %scan3A_476 : i32 to index
        %get3A_697 = arith.constant 112 : index
        %get3A_698 = tpu.vector_load %arg19[%get3A_696, %get3A_697] {strides = array<i32>} : memref<40x256xf32, #tpu.memory_space<vmem>>, vector<16xf32>,
        %get3A_699 = arith.index_cast %scan3A_476 : i32 to index
        %get3A_700 = arith.constant 240 : index
        %get3A_701 = tpu.vector_load %arg19[%get3A_699, %get3A_700] {strides = array<i32>} : memref<40x256xf32, #tpu.memory_space<vmem>>, vector<16xf32>,
        %get3A_702 = arith.index_cast %scan3A_476 : i32 to index
        %get3A_703 = arith.constant 112 : index
        %get3A_704 = tpu.vector_load %arg20[%get3A_702, %get3A_703] {strides = array<i32>} : memref<40x128xf32, #tpu.memory_space<vmem>>, vector<16xf32>,
        %add3A_705 = arith.addf %get3A_698, %get3A_704 : vector<16xf32>
        %mul3A_706 = arith.mulf %get3A_695, %add3A_705 : vector<16xf32>
        %reduce_sum3A_707 = arith.constant true
        %reduce_sum3A_708 = vector.broadcast %reduce_sum3A_707 : i1 to vector<16xi1>
        %reduce_sum3A_709 = tpu.scan <sum>, %mul3A_706 masked %reduce_sum3A_708 : vector<16xf32>, vector<16xi1> -> vector<16xf32>
        %reduce_sum3A_710 = vector.extract %reduce_sum3A_709[15] : f32 from vector<16xf32>
        %mul3A_711 = arith.constant 2.500000e-01 : f32
        %mul3A_712 = arith.mulf %reduce_sum3A_710, %mul3A_711 : f32
        %broadcast_in_dim3A_713 = vector.broadcast %mul3A_712 : f32 to vector<16xf32>
        %exp3A_714 = math.exp %broadcast_in_dim3A_713 : vector<16xf32>
        %add3A_715 = arith.addf %get3A_701, %get3A_704 : vector<16xf32>
        %mul3A_716 = arith.mulf %add3A_715, %exp3A_714 : vector<16xf32>
        %swap3A_717 = arith.index_cast %add3A_481 : i32 to index
        %swap3A_718 = arith.constant 112 : index
        %swap3A_719 = tpu.vector_load %arg21[%swap3A_717, %swap3A_718] {strides = array<i32>} : memref<80x128xf32, #tpu.memory_space<vmem>>, vector<16xf32>,
        tpu.vector_store %arg21[%swap3A_717, %swap3A_718], %mul3A_716 {strides = array<i32>} : memref<80x128xf32, #tpu.memory_space<vmem>>, vector<16xf32>,
        %eq3A_720 = arith.constant 7 : i32
        %eq3A_721 = vector.broadcast %eq3A_720 : i32 to vector<16xi32>
        %eq3A_722 = arith.cmpi eq, %iota3A, %eq3A_721 : vector<16xi32>
        %select_n3A_723 = arith.select %eq3A_722, %exp3A_714, %select_n3A_692 : vector<16xi1>, vector<16xf32>
        %get3A_724 = arith.index_cast %scan3A_476 : i32 to index
        %get3A_725 = tpu.vector_load %arg13[%get3A_724] {strides = array<i32>} : memref<56xi32, #tpu.memory_space<vmem>>, vector<16xi32>,
        %slice3A = vector.extract_strided_slice %get3A_725 {offsets = [0], sizes = [1], strides = [1]} : vector<16xi32> to vector<1xi32>
        %squeeze3A = vector.extract %slice3A[0] : i32 from vector<1xi32>
        %and3A_726 = arith.constant 7 : i32
        %and3A_727 = arith.andi %squeeze3A, %and3A_726 : i32
        %eq3A_728 = arith.constant 0 : i32
        %eq3A_729 = arith.cmpi eq, %and3A_727, %eq3A_728 : i32
        %select_n3A_730 = arith.select %eq3A_729, %select_n3A_723, %broadcast_in_dim3A_1 : vector<16xf32>
        %add3A_731 = arith.constant 8 : i32
        %add3A_732 = arith.addi %add3A_481, %add3A_731 : i32
        %swap3A_733 = arith.index_cast %add3A_732 : i32 to index
        %swap3A_734 = arith.constant 0 : index
        %swap3A_735 = tpu.vector_load %arg21[%swap3A_733, %swap3A_734] {strides = array<i32>} : memref<80x128xf32, #tpu.memory_space<vmem>>, vector<16xf32>,
        tpu.vector_store %arg21[%swap3A_733, %swap3A_734], %select_n3A_730 {strides = array<i32>} : memref<80x128xf32, #tpu.memory_space<vmem>>, vector<16xf32>,
        %eq3A_736 = arith.constant 1 : i32
        %eq3A_737 = arith.cmpi eq, %and3A_727, %eq3A_736 : i32
        %select_n3A_738 = arith.select %eq3A_737, %select_n3A_723, %broadcast_in_dim3A_1 : vector<16xf32>
        %add3A_739 = arith.constant 8 : i32
        %add3A_740 = arith.addi %add3A_481, %add3A_739 : i32
        %swap3A_741 = arith.index_cast %add3A_740 : i32 to index
        %swap3A_742 = arith.constant 16 : index
        %swap3A_743 = tpu.vector_load %arg21[%swap3A_741, %swap3A_742] {strides = array<i32>} : memref<80x128xf32, #tpu.memory_space<vmem>>, vector<16xf32>,
        tpu.vector_store %arg21[%swap3A_741, %swap3A_742], %select_n3A_738 {strides = array<i32>} : memref<80x128xf32, #tpu.memory_space<vmem>>, vector<16xf32>,
        %eq3A_744 = arith.constant 2 : i32
        %eq3A_745 = arith.cmpi eq, %and3A_727, %eq3A_744 : i32
        %select_n3A_746 = arith.select %eq3A_745, %select_n3A_723, %broadcast_in_dim3A_1 : vector<16xf32>
        %add3A_747 = arith.constant 8 : i32
        %add3A_748 = arith.addi %add3A_481, %add3A_747 : i32
        %swap3A_749 = arith.index_cast %add3A_748 : i32 to index
        %swap3A_750 = arith.constant 32 : index
        %swap3A_751 = tpu.vector_load %arg21[%swap3A_749, %swap3A_750] {strides = array<i32>} : memref<80x128xf32, #tpu.memory_space<vmem>>, vector<16xf32>,
        tpu.vector_store %arg21[%swap3A_749, %swap3A_750], %select_n3A_746 {strides = array<i32>} : memref<80x128xf32, #tpu.memory_space<vmem>>, vector<16xf32>,
        %eq3A_752 = arith.constant 3 : i32
        %eq3A_753 = arith.cmpi eq, %and3A_727, %eq3A_752 : i32
        %select_n3A_754 = arith.select %eq3A_753, %select_n3A_723, %broadcast_in_dim3A_1 : vector<16xf32>
        %add3A_755 = arith.constant 8 : i32
        %add3A_756 = arith.addi %add3A_481, %add3A_755 : i32
        %swap3A_757 = arith.index_cast %add3A_756 : i32 to index
        %swap3A_758 = arith.constant 48 : index
        %swap3A_759 = tpu.vector_load %arg21[%swap3A_757, %swap3A_758] {strides = array<i32>} : memref<80x128xf32, #tpu.memory_space<vmem>>, vector<16xf32>,
        tpu.vector_store %arg21[%swap3A_757, %swap3A_758], %select_n3A_754 {strides = array<i32>} : memref<80x128xf32, #tpu.memory_space<vmem>>, vector<16xf32>,
        %eq3A_760 = arith.constant 4 : i32
        %eq3A_761 = arith.cmpi eq, %and3A_727, %eq3A_760 : i32
        %select_n3A_762 = arith.select %eq3A_761, %select_n3A_723, %broadcast_in_dim3A_1 : vector<16xf32>
        %add3A_763 = arith.constant 8 : i32
        %add3A_764 = arith.addi %add3A_481, %add3A_763 : i32
        %swap3A_765 = arith.index_cast %add3A_764 : i32 to index
        %swap3A_766 = arith.constant 64 : index
        %swap3A_767 = tpu.vector_load %arg21[%swap3A_765, %swap3A_766] {strides = array<i32>} : memref<80x128xf32, #tpu.memory_space<vmem>>, vector<16xf32>,
        tpu.vector_store %arg21[%swap3A_765, %swap3A_766], %select_n3A_762 {strides = array<i32>} : memref<80x128xf32, #tpu.memory_space<vmem>>, vector<16xf32>,
        %eq3A_768 = arith.constant 5 : i32
        %eq3A_769 = arith.cmpi eq, %and3A_727, %eq3A_768 : i32
        %select_n3A_770 = arith.select %eq3A_769, %select_n3A_723, %broadcast_in_dim3A_1 : vector<16xf32>
        %add3A_771 = arith.constant 8 : i32
        %add3A_772 = arith.addi %add3A_481, %add3A_771 : i32
        %swap3A_773 = arith.index_cast %add3A_772 : i32 to index
        %swap3A_774 = arith.constant 80 : index
        %swap3A_775 = tpu.vector_load %arg21[%swap3A_773, %swap3A_774] {strides = array<i32>} : memref<80x128xf32, #tpu.memory_space<vmem>>, vector<16xf32>,
        tpu.vector_store %arg21[%swap3A_773, %swap3A_774], %select_n3A_770 {strides = array<i32>} : memref<80x128xf32, #tpu.memory_space<vmem>>, vector<16xf32>,
        %eq3A_776 = arith.constant 6 : i32
        %eq3A_777 = arith.cmpi eq, %and3A_727, %eq3A_776 : i32
        %select_n3A_778 = arith.select %eq3A_777, %select_n3A_723, %broadcast_in_dim3A_1 : vector<16xf32>
        %add3A_779 = arith.constant 8 : i32
        %add3A_780 = arith.addi %add3A_481, %add3A_779 : i32
        %swap3A_781 = arith.index_cast %add3A_780 : i32 to index
        %swap3A_782 = arith.constant 96 : index
        %swap3A_783 = tpu.vector_load %arg21[%swap3A_781, %swap3A_782] {strides = array<i32>} : memref<80x128xf32, #tpu.memory_space<vmem>>, vector<16xf32>,
        tpu.vector_store %arg21[%swap3A_781, %swap3A_782], %select_n3A_778 {strides = array<i32>} : memref<80x128xf32, #tpu.memory_space<vmem>>, vector<16xf32>,
        %eq3A_784 = arith.constant 7 : i32
        %eq3A_785 = arith.cmpi eq, %and3A_727, %eq3A_784 : i32
        %select_n3A_786 = arith.select %eq3A_785, %select_n3A_723, %broadcast_in_dim3A_1 : vector<16xf32>
        %add3A_787 = arith.constant 8 : i32
        %add3A_788 = arith.addi %add3A_481, %add3A_787 : i32
        %swap3A_789 = arith.index_cast %add3A_788 : i32 to index
        %swap3A_790 = arith.constant 112 : index
        %swap3A_791 = tpu.vector_load %arg21[%swap3A_789, %swap3A_790] {strides = array<i32>} : memref<80x128xf32, #tpu.memory_space<vmem>>, vector<16xf32>,
        tpu.vector_store %arg21[%swap3A_789, %swap3A_790], %select_n3A_786 {strides = array<i32>} : memref<80x128xf32, #tpu.memory_space<vmem>>, vector<16xf32>,
      }
      %scan3A_165 = arith.constant 40 : i32
      %min3A_166 = arith.constant 249 : i32
      %min3A_167 = arith.minsi %add3A_77, %min3A_166 : i32
      %mul3A_168 = arith.constant 1250 : i32
      %mul3A_169 = arith.muli %add3A, %mul3A_168 : i32
      %mul3A_170 = arith.constant 5 : i32
      %mul3A_171 = arith.muli %min3A_167, %mul3A_170 : i32
      %add3A_172 = arith.addi %mul3A_169, %mul3A_171 : i32
      %and3A_173 = arith.constant 7 : i32
      %and3A_174 = arith.andi %add3A_172, %and3A_173 : i32
      %add3A_175 = arith.constant 0 : i32
      %add3A_176 = arith.addi %add3A_175, %and3A_174 : i32
      %dma_start3A_177 = arith.constant 0 : i32
      %dma_start3A_178 = arith.constant 0 : i32
      %dma_start3A_179 = tpu.memref_slice %arg21[%dma_start3A_177, %dma_start3A_178] : memref<80x128xf32, #tpu.memory_space<vmem>> -> memref<16x128xf32, #tpu.memory_space<vmem>>
      %dma_start3A_180 = arith.constant 0 : i32
      %dma_start3A_181 = tpu.memref_slice %arg15[%add3A_176, %dma_start3A_180] : memref<16x16xi32, #tpu.memory_space<vmem>> -> memref<1x16xi32, #tpu.memory_space<vmem>>
      %dma_start3A_182 = tpu.memref_squeeze %dma_start3A_181 : memref<1x16xi32, #tpu.memory_space<vmem>> -> memref<16xi32, #tpu.memory_space<vmem>>
      %dma_start3A_183 = arith.constant 0 : i32
      %dma_start3A_184 = arith.constant 0 : i32
      %dma_start3A_185 = tpu.memref_slice %arg23[%dma_start3A_183, %dma_start3A_184] : memref<11520x128xf32, #tpu.memory_space<vmem_shared>> -> memref<11520x128xf32, #tpu.memory_space<vmem_shared>>
      tpu.enqueue_indirect_dma source(%dma_start3A_179 : memref<16x128xf32, #tpu.memory_space<vmem>>) target(%dma_start3A_185 : memref<11520x128xf32, #tpu.memory_space<vmem_shared>>) offsets(%dma_start3A_182 : memref<16xi32, #tpu.memory_space<vmem>>) semaphore(%arg28 : memref<!tpu.dma_semaphore, #tpu.memory_space<semaphore_mem>>) {add = true}
      %add3A_186 = arith.constant 1 : i32
      %add3A_187 = arith.addi %add3A_186, %and3A_174 : i32
      %dma_start3A_188 = arith.constant 16 : i32
      %dma_start3A_189 = arith.constant 0 : i32
      %dma_start3A_190 = tpu.memref_slice %arg21[%dma_start3A_188, %dma_start3A_189] : memref<80x128xf32, #tpu.memory_space<vmem>> -> memref<16x128xf32, #tpu.memory_space<vmem>>
      %dma_start3A_191 = arith.constant 0 : i32
      %dma_start3A_192 = tpu.memref_slice %arg15[%add3A_187, %dma_start3A_191] : memref<16x16xi32, #tpu.memory_space<vmem>> -> memref<1x16xi32, #tpu.memory_space<vmem>>
      %dma_start3A_193 = tpu.memref_squeeze %dma_start3A_192 : memref<1x16xi32, #tpu.memory_space<vmem>> -> memref<16xi32, #tpu.memory_space<vmem>>
      %dma_start3A_194 = arith.constant 0 : i32
      %dma_start3A_195 = arith.constant 0 : i32
      %dma_start3A_196 = tpu.memref_slice %arg23[%dma_start3A_194, %dma_start3A_195] : memref<11520x128xf32, #tpu.memory_space<vmem_shared>> -> memref<11520x128xf32, #tpu.memory_space<vmem_shared>>
      tpu.enqueue_indirect_dma source(%dma_start3A_190 : memref<16x128xf32, #tpu.memory_space<vmem>>) target(%dma_start3A_196 : memref<11520x128xf32, #tpu.memory_space<vmem_shared>>) offsets(%dma_start3A_193 : memref<16xi32, #tpu.memory_space<vmem>>) semaphore(%arg28 : memref<!tpu.dma_semaphore, #tpu.memory_space<semaphore_mem>>) {add = true}
      %add3A_197 = arith.constant 2 : i32
      %add3A_198 = arith.addi %add3A_197, %and3A_174 : i32
      %dma_start3A_199 = arith.constant 32 : i32
      %dma_start3A_200 = arith.constant 0 : i32
      %dma_start3A_201 = tpu.memref_slice %arg21[%dma_start3A_199, %dma_start3A_200] : memref<80x128xf32, #tpu.memory_space<vmem>> -> memref<16x128xf32, #tpu.memory_space<vmem>>
      %dma_start3A_202 = arith.constant 0 : i32
      %dma_start3A_203 = tpu.memref_slice %arg15[%add3A_198, %dma_start3A_202] : memref<16x16xi32, #tpu.memory_space<vmem>> -> memref<1x16xi32, #tpu.memory_space<vmem>>
      %dma_start3A_204 = tpu.memref_squeeze %dma_start3A_203 : memref<1x16xi32, #tpu.memory_space<vmem>> -> memref<16xi32, #tpu.memory_space<vmem>>
      %dma_start3A_205 = arith.constant 0 : i32
      %dma_start3A_206 = arith.constant 0 : i32
      %dma_start3A_207 = tpu.memref_slice %arg23[%dma_start3A_205, %dma_start3A_206] : memref<11520x128xf32, #tpu.memory_space<vmem_shared>> -> memref<11520x128xf32, #tpu.memory_space<vmem_shared>>
      tpu.enqueue_indirect_dma source(%dma_start3A_201 : memref<16x128xf32, #tpu.memory_space<vmem>>) target(%dma_start3A_207 : memref<11520x128xf32, #tpu.memory_space<vmem_shared>>) offsets(%dma_start3A_204 : memref<16xi32, #tpu.memory_space<vmem>>) semaphore(%arg28 : memref<!tpu.dma_semaphore, #tpu.memory_space<semaphore_mem>>) {add = true}
      %add3A_208 = arith.constant 3 : i32
      %add3A_209 = arith.addi %add3A_208, %and3A_174 : i32
      %dma_start3A_210 = arith.constant 48 : i32
      %dma_start3A_211 = arith.constant 0 : i32
      %dma_start3A_212 = tpu.memref_slice %arg21[%dma_start3A_210, %dma_start3A_211] : memref<80x128xf32, #tpu.memory_space<vmem>> -> memref<16x128xf32, #tpu.memory_space<vmem>>
      %dma_start3A_213 = arith.constant 0 : i32
      %dma_start3A_214 = tpu.memref_slice %arg15[%add3A_209, %dma_start3A_213] : memref<16x16xi32, #tpu.memory_space<vmem>> -> memref<1x16xi32, #tpu.memory_space<vmem>>
      %dma_start3A_215 = tpu.memref_squeeze %dma_start3A_214 : memref<1x16xi32, #tpu.memory_space<vmem>> -> memref<16xi32, #tpu.memory_space<vmem>>
      %dma_start3A_216 = arith.constant 0 : i32
      %dma_start3A_217 = arith.constant 0 : i32
      %dma_start3A_218 = tpu.memref_slice %arg23[%dma_start3A_216, %dma_start3A_217] : memref<11520x128xf32, #tpu.memory_space<vmem_shared>> -> memref<11520x128xf32, #tpu.memory_space<vmem_shared>>
      tpu.enqueue_indirect_dma source(%dma_start3A_212 : memref<16x128xf32, #tpu.memory_space<vmem>>) target(%dma_start3A_218 : memref<11520x128xf32, #tpu.memory_space<vmem_shared>>) offsets(%dma_start3A_215 : memref<16xi32, #tpu.memory_space<vmem>>) semaphore(%arg28 : memref<!tpu.dma_semaphore, #tpu.memory_space<semaphore_mem>>) {add = true}
      %add3A_219 = arith.constant 4 : i32
      %add3A_220 = arith.addi %add3A_219, %and3A_174 : i32
      %dma_start3A_221 = arith.constant 64 : i32
      %dma_start3A_222 = arith.constant 0 : i32
      %dma_start3A_223 = tpu.memref_slice %arg21[%dma_start3A_221, %dma_start3A_222] : memref<80x128xf32, #tpu.memory_space<vmem>> -> memref<16x128xf32, #tpu.memory_space<vmem>>
      %dma_start3A_224 = arith.constant 0 : i32
      %dma_start3A_225 = tpu.memref_slice %arg15[%add3A_220, %dma_start3A_224] : memref<16x16xi32, #tpu.memory_space<vmem>> -> memref<1x16xi32, #tpu.memory_space<vmem>>
      %dma_start3A_226 = tpu.memref_squeeze %dma_start3A_225 : memref<1x16xi32, #tpu.memory_space<vmem>> -> memref<16xi32, #tpu.memory_space<vmem>>
      %dma_start3A_227 = arith.constant 0 : i32
      %dma_start3A_228 = arith.constant 0 : i32
      %dma_start3A_229 = tpu.memref_slice %arg23[%dma_start3A_227, %dma_start3A_228] : memref<11520x128xf32, #tpu.memory_space<vmem_shared>> -> memref<11520x128xf32, #tpu.memory_space<vmem_shared>>
      tpu.enqueue_indirect_dma source(%dma_start3A_223 : memref<16x128xf32, #tpu.memory_space<vmem>>) target(%dma_start3A_229 : memref<11520x128xf32, #tpu.memory_space<vmem_shared>>) offsets(%dma_start3A_226 : memref<16xi32, #tpu.memory_space<vmem>>) semaphore(%arg28 : memref<!tpu.dma_semaphore, #tpu.memory_space<semaphore_mem>>) {add = true}
      %dma_wait3A_230 = arith.constant 0 : i32
      %dma_wait3A_231 = arith.constant 0 : i32
      %dma_wait3A_232 = tpu.memref_slice %arg21[%dma_wait3A_230, %dma_wait3A_231] : memref<80x128xf32, #tpu.memory_space<vmem>> -> memref<16x128xf32, #tpu.memory_space<vmem>>
      %dma_wait3A_233 = arith.constant 0 : i32
      %dma_wait3A_234 = tpu.memref_slice %arg15[%add3A_176, %dma_wait3A_233] : memref<16x16xi32, #tpu.memory_space<vmem>> -> memref<1x16xi32, #tpu.memory_space<vmem>>
      %dma_wait3A_235 = tpu.memref_squeeze %dma_wait3A_234 : memref<1x16xi32, #tpu.memory_space<vmem>> -> memref<16xi32, #tpu.memory_space<vmem>>
      %dma_wait3A_236 = arith.constant 0 : i32
      %dma_wait3A_237 = arith.constant 0 : i32
      %dma_wait3A_238 = tpu.memref_slice %arg23[%dma_wait3A_236, %dma_wait3A_237] : memref<11520x128xf32, #tpu.memory_space<vmem_shared>> -> memref<11520x128xf32, #tpu.memory_space<vmem_shared>>
      tpu.wait_indirect_dma semaphore(%arg28 : memref<!tpu.dma_semaphore, #tpu.memory_space<semaphore_mem>>) src(%dma_wait3A_232 : memref<16x128xf32, #tpu.memory_space<vmem>>) dst(%dma_wait3A_238 : memref<11520x128xf32, #tpu.memory_space<vmem_shared>>)
      %dma_wait3A_239 = arith.constant 16 : i32
      %dma_wait3A_240 = arith.constant 0 : i32
      %dma_wait3A_241 = tpu.memref_slice %arg21[%dma_wait3A_239, %dma_wait3A_240] : memref<80x128xf32, #tpu.memory_space<vmem>> -> memref<16x128xf32, #tpu.memory_space<vmem>>
      %dma_wait3A_242 = arith.constant 0 : i32
      %dma_wait3A_243 = tpu.memref_slice %arg15[%add3A_187, %dma_wait3A_242] : memref<16x16xi32, #tpu.memory_space<vmem>> -> memref<1x16xi32, #tpu.memory_space<vmem>>
      %dma_wait3A_244 = tpu.memref_squeeze %dma_wait3A_243 : memref<1x16xi32, #tpu.memory_space<vmem>> -> memref<16xi32, #tpu.memory_space<vmem>>
      %dma_wait3A_245 = arith.constant 0 : i32
      %dma_wait3A_246 = arith.constant 0 : i32
      %dma_wait3A_247 = tpu.memref_slice %arg23[%dma_wait3A_245, %dma_wait3A_246] : memref<11520x128xf32, #tpu.memory_space<vmem_shared>> -> memref<11520x128xf32, #tpu.memory_space<vmem_shared>>
      tpu.wait_indirect_dma semaphore(%arg28 : memref<!tpu.dma_semaphore, #tpu.memory_space<semaphore_mem>>) src(%dma_wait3A_241 : memref<16x128xf32, #tpu.memory_space<vmem>>) dst(%dma_wait3A_247 : memref<11520x128xf32, #tpu.memory_space<vmem_shared>>)
      %dma_wait3A_248 = arith.constant 32 : i32
      %dma_wait3A_249 = arith.constant 0 : i32
      %dma_wait3A_250 = tpu.memref_slice %arg21[%dma_wait3A_248, %dma_wait3A_249] : memref<80x128xf32, #tpu.memory_space<vmem>> -> memref<16x128xf32, #tpu.memory_space<vmem>>
      %dma_wait3A_251 = arith.constant 0 : i32
      %dma_wait3A_252 = tpu.memref_slice %arg15[%add3A_198, %dma_wait3A_251] : memref<16x16xi32, #tpu.memory_space<vmem>> -> memref<1x16xi32, #tpu.memory_space<vmem>>
      %dma_wait3A_253 = tpu.memref_squeeze %dma_wait3A_252 : memref<1x16xi32, #tpu.memory_space<vmem>> -> memref<16xi32, #tpu.memory_space<vmem>>
      %dma_wait3A_254 = arith.constant 0 : i32
      %dma_wait3A_255 = arith.constant 0 : i32
      %dma_wait3A_256 = tpu.memref_slice %arg23[%dma_wait3A_254, %dma_wait3A_255] : memref<11520x128xf32, #tpu.memory_space<vmem_shared>> -> memref<11520x128xf32, #tpu.memory_space<vmem_shared>>
      tpu.wait_indirect_dma semaphore(%arg28 : memref<!tpu.dma_semaphore, #tpu.memory_space<semaphore_mem>>) src(%dma_wait3A_250 : memref<16x128xf32, #tpu.memory_space<vmem>>) dst(%dma_wait3A_256 : memref<11520x128xf32, #tpu.memory_space<vmem_shared>>)
      %dma_wait3A_257 = arith.constant 48 : i32
      %dma_wait3A_258 = arith.constant 0 : i32
      %dma_wait3A_259 = tpu.memref_slice %arg21[%dma_wait3A_257, %dma_wait3A_258] : memref<80x128xf32, #tpu.memory_space<vmem>> -> memref<16x128xf32, #tpu.memory_space<vmem>>
      %dma_wait3A_260 = arith.constant 0 : i32
      %dma_wait3A_261 = tpu.memref_slice %arg15[%add3A_209, %dma_wait3A_260] : memref<16x16xi32, #tpu.memory_space<vmem>> -> memref<1x16xi32, #tpu.memory_space<vmem>>
      %dma_wait3A_262 = tpu.memref_squeeze %dma_wait3A_261 : memref<1x16xi32, #tpu.memory_space<vmem>> -> memref<16xi32, #tpu.memory_space<vmem>>
      %dma_wait3A_263 = arith.constant 0 : i32
      %dma_wait3A_264 = arith.constant 0 : i32
      %dma_wait3A_265 = tpu.memref_slice %arg23[%dma_wait3A_263, %dma_wait3A_264] : memref<11520x128xf32, #tpu.memory_space<vmem_shared>> -> memref<11520x128xf32, #tpu.memory_space<vmem_shared>>
      tpu.wait_indirect_dma semaphore(%arg28 : memref<!tpu.dma_semaphore, #tpu.memory_space<semaphore_mem>>) src(%dma_wait3A_259 : memref<16x128xf32, #tpu.memory_space<vmem>>) dst(%dma_wait3A_265 : memref<11520x128xf32, #tpu.memory_space<vmem_shared>>)
      %dma_wait3A_266 = arith.constant 64 : i32
      %dma_wait3A_267 = arith.constant 0 : i32
      %dma_wait3A_268 = tpu.memref_slice %arg21[%dma_wait3A_266, %dma_wait3A_267] : memref<80x128xf32, #tpu.memory_space<vmem>> -> memref<16x128xf32, #tpu.memory_space<vmem>>
      %dma_wait3A_269 = arith.constant 0 : i32
      %dma_wait3A_270 = tpu.memref_slice %arg15[%add3A_220, %dma_wait3A_269] : memref<16x16xi32, #tpu.memory_space<vmem>> -> memref<1x16xi32, #tpu.memory_space<vmem>>
      %dma_wait3A_271 = tpu.memref_squeeze %dma_wait3A_270 : memref<1x16xi32, #tpu.memory_space<vmem>> -> memref<16xi32, #tpu.memory_space<vmem>>
      %dma_wait3A_272 = arith.constant 0 : i32
      %dma_wait3A_273 = arith.constant 0 : i32
      %dma_wait3A_274 = tpu.memref_slice %arg23[%dma_wait3A_272, %dma_wait3A_273] : memref<11520x128xf32, #tpu.memory_space<vmem_shared>> -> memref<11520x128xf32, #tpu.memory_space<vmem_shared>>
      tpu.wait_indirect_dma semaphore(%arg28 : memref<!tpu.dma_semaphore, #tpu.memory_space<semaphore_mem>>) src(%dma_wait3A_268 : memref<16x128xf32, #tpu.memory_space<vmem>>) dst(%dma_wait3A_274 : memref<11520x128xf32, #tpu.memory_space<vmem_shared>>)
      %mul3A_275 = arith.constant 2 : i32
      %mul3A_276 = arith.muli %mul3A_275, %scan3A_73 : i32
      %add3A_277 = arith.constant 1 : i32
      %add3A_278 = arith.addi %mul3A_276, %add3A_277 : i32
      %dma_wait3A_279 = arith.constant 0 : i32
      %dma_wait3A_280 = tpu.memref_slice %arg2[%dma_wait3A_279] : memref<320000xi32, #tpu.memory_space<hbm>> -> memref<40xi32, #tpu.memory_space<hbm>>
      %dma_wait3A_281 = arith.constant 0 : i32
      %dma_wait3A_282 = tpu.memref_slice %arg2[%dma_wait3A_281] : memref<320000xi32, #tpu.memory_space<hbm>> -> memref<40xi32, #tpu.memory_space<hbm>>
      tpu.wait_dma2 semaphore(%arg25 : memref<!tpu.dma_semaphore, #tpu.memory_space<semaphore_mem>>) src(%dma_wait3A_282 : memref<40xi32, #tpu.memory_space<hbm>>) dst(%arg12 : memref<40xi32, #tpu.memory_space<vmem>>)
      %dma_wait3A_283 = arith.constant 0 : i32
      %dma_wait3A_284 = tpu.memref_slice %arg14[%dma_wait3A_283] : memref<56xi32, #tpu.memory_space<vmem>> -> memref<40xi32, #tpu.memory_space<vmem>>
      %dma_wait3A_285 = arith.constant 0 : i32
      %dma_wait3A_286 = tpu.memref_slice %arg3[%dma_wait3A_285] : memref<320000xi32, #tpu.memory_space<hbm>> -> memref<40xi32, #tpu.memory_space<hbm>>
      %dma_wait3A_287 = arith.constant 0 : i32
      %dma_wait3A_288 = tpu.memref_slice %arg14[%dma_wait3A_287] : memref<56xi32, #tpu.memory_space<vmem>> -> memref<40xi32, #tpu.memory_space<vmem>>
      %dma_wait3A_289 = arith.constant 0 : i32
      %dma_wait3A_290 = tpu.memref_slice %arg3[%dma_wait3A_289] : memref<320000xi32, #tpu.memory_space<hbm>> -> memref<40xi32, #tpu.memory_space<hbm>>
      tpu.wait_dma2 semaphore(%arg25 : memref<!tpu.dma_semaphore, #tpu.memory_space<semaphore_mem>>) src(%dma_wait3A_290 : memref<40xi32, #tpu.memory_space<hbm>>) dst(%dma_wait3A_288 : memref<40xi32, #tpu.memory_space<vmem>>)
      %dma_wait3A_291 = arith.constant 0 : i32
      %dma_wait3A_292 = arith.constant 0 : i32
      %dma_wait3A_293 = tpu.memref_slice %arg4[%dma_wait3A_291, %dma_wait3A_292] : memref<40000x16xi32, #tpu.memory_space<hbm>> -> memref<16x16xi32, #tpu.memory_space<hbm>>
      %dma_wait3A_294 = arith.constant 0 : i32
      %dma_wait3A_295 = arith.constant 0 : i32
      %dma_wait3A_296 = tpu.memref_slice %arg4[%dma_wait3A_294, %dma_wait3A_295] : memref<40000x16xi32, #tpu.memory_space<hbm>> -> memref<16x16xi32, #tpu.memory_space<hbm>>
      tpu.wait_dma2 semaphore(%arg25 : memref<!tpu.dma_semaphore, #tpu.memory_space<semaphore_mem>>) src(%dma_wait3A_296 : memref<16x16xi32, #tpu.memory_space<hbm>>) dst(%arg16 : memref<16x16xi32, #tpu.memory_space<vmem>>)
      %add3A_297 = arith.constant 1 : i32
      %add3A_298 = arith.addi %add3A_278, %add3A_297 : i32
      %min3A_299 = arith.constant 249 : i32
      %min3A_300 = arith.minsi %add3A_298, %min3A_299 : i32
      %mul3A_301 = arith.constant 10000 : i32
      %mul3A_302 = arith.muli %add3A, %mul3A_301 : i32
      %mul3A_303 = arith.constant 40 : i32
      %mul3A_304 = arith.muli %min3A_300, %mul3A_303 : i32
      %add3A_305 = arith.addi %mul3A_302, %mul3A_304 : i32
      %mul3A_306 = arith.constant 1250 : i32
      %mul3A_307 = arith.muli %add3A, %mul3A_306 : i32
      %mul3A_308 = arith.constant 5 : i32
      %mul3A_309 = arith.muli %min3A_300, %mul3A_308 : i32
      %add3A_310 = arith.addi %mul3A_307, %mul3A_309 : i32
      %and3A_311 = arith.constant 7 : i32
      %and3A_312 = arith.andi %add3A_310, %and3A_311 : i32
      %sub3A_313 = arith.subi %add3A_310, %and3A_312 : i32
      %multiple_of3A_314 = tpu.assume_multiple %sub3A_313, 8 : i32
      %dma_start3A_315 = tpu.memref_slice %arg2[%add3A_305] : memref<320000xi32, #tpu.memory_space<hbm>> -> memref<40xi32, #tpu.memory_space<hbm>>
      %dma_start3A_316 = tpu.memref_slice %arg2[%add3A_305] : memref<320000xi32, #tpu.memory_space<hbm>> -> memref<40xi32, #tpu.memory_space<hbm>>
      tpu.enqueue_dma source(%dma_start3A_316 : memref<40xi32, #tpu.memory_space<hbm>>) target(%arg11 : memref<40xi32, #tpu.memory_space<vmem>>) target_semaphore(%arg24 : memref<!tpu.dma_semaphore, #tpu.memory_space<semaphore_mem>>)
      %dma_start3A_317 = arith.constant 0 : i32
      %dma_start3A_318 = tpu.memref_slice %arg13[%dma_start3A_317] : memref<56xi32, #tpu.memory_space<vmem>> -> memref<40xi32, #tpu.memory_space<vmem>>
      %dma_start3A_319 = tpu.memref_slice %arg3[%add3A_305] : memref<320000xi32, #tpu.memory_space<hbm>> -> memref<40xi32, #tpu.memory_space<hbm>>
      %dma_start3A_320 = arith.constant 0 : i32
      %dma_start3A_321 = tpu.memref_slice %arg13[%dma_start3A_320] : memref<56xi32, #tpu.memory_space<vmem>> -> memref<40xi32, #tpu.memory_space<vmem>>
      %dma_start3A_322 = tpu.memref_slice %arg3[%add3A_305] : memref<320000xi32, #tpu.memory_space<hbm>> -> memref<40xi32, #tpu.memory_space<hbm>>
      tpu.enqueue_dma source(%dma_start3A_322 : memref<40xi32, #tpu.memory_space<hbm>>) target(%dma_start3A_321 : memref<40xi32, #tpu.memory_space<vmem>>) target_semaphore(%arg24 : memref<!tpu.dma_semaphore, #tpu.memory_space<semaphore_mem>>)
      %dma_start3A_323 = arith.constant 0 : i32
      %dma_start3A_324 = tpu.memref_slice %arg4[%multiple_of3A_314, %dma_start3A_323] : memref<40000x16xi32, #tpu.memory_space<hbm>> -> memref<16x16xi32, #tpu.memory_space<hbm>>
      %dma_start3A_325 = arith.constant 0 : i32
      %dma_start3A_326 = tpu.memref_slice %arg4[%multiple_of3A_314, %dma_start3A_325] : memref<40000x16xi32, #tpu.memory_space<hbm>> -> memref<16x16xi32, #tpu.memory_space<hbm>>
      tpu.enqueue_dma source(%dma_start3A_326 : memref<16x16xi32, #tpu.memory_space<hbm>>) target(%arg15 : memref<16x16xi32, #tpu.memory_space<vmem>>) target_semaphore(%arg24 : memref<!tpu.dma_semaphore, #tpu.memory_space<semaphore_mem>>)
      %dma_start3A_327 = arith.constant 0 : i32
      %dma_start3A_328 = arith.constant 0 : i32
      %dma_start3A_329 = tpu.memref_slice %arg6[%dma_start3A_327, %dma_start3A_328] : memref<10000x256xf32, #tpu.memory_space<hbm>> -> memref<10000x256xf32, #tpu.memory_space<hbm>>
      tpu.enqueue_indirect_dma source(%dma_start3A_329 : memref<10000x256xf32, #tpu.memory_space<hbm>>) target(%arg19 : memref<40x256xf32, #tpu.memory_space<vmem>>) offsets(%arg12 : memref<40xi32, #tpu.memory_space<vmem>>) semaphore(%arg27 : memref<!tpu.dma_semaphore, #tpu.memory_space<semaphore_mem>>)
      %min3A_330 = arith.constant 249 : i32
      %min3A_331 = arith.minsi %add3A_278, %min3A_330 : i32
      %mul3A_332 = arith.constant 10000 : i32
      %mul3A_333 = arith.muli %add3A, %mul3A_332 : i32
      %mul3A_334 = arith.constant 40 : i32
      %mul3A_335 = arith.muli %min3A_331, %mul3A_334 : i32
      %add3A_336 = arith.addi %mul3A_333, %mul3A_335 : i32
      %dma_start3A_337 = arith.constant 0 : i32
      %dma_start3A_338 = tpu.memref_slice %arg14[%dma_start3A_337] : memref<56xi32, #tpu.memory_space<vmem>> -> memref<40xi32, #tpu.memory_space<vmem>>
      %dma_start3A_339 = arith.constant 0 : i32
      %dma_start3A_340 = arith.constant 0 : i32
      %dma_start3A_341 = tpu.memref_slice %arg5[%dma_start3A_339, %dma_start3A_340] : memref<10000x128xf32, #tpu.memory_space<hbm>> -> memref<10000x128xf32, #tpu.memory_space<hbm>>
      tpu.enqueue_indirect_dma source(%dma_start3A_341 : memref<10000x128xf32, #tpu.memory_space<hbm>>) target(%arg18 : memref<40x128xf32, #tpu.memory_space<vmem>>) offsets(%dma_start3A_338 : memref<40xi32, #tpu.memory_space<vmem>>) semaphore(%arg26 : memref<!tpu.dma_semaphore, #tpu.memory_space<semaphore_mem>>)
      %dma_start3A_342 = arith.constant 0 : i32
      %dma_start3A_343 = tpu.memref_slice %arg7[%add3A_336, %dma_start3A_342] : memref<320000x128xf32, #tpu.memory_space<hbm>> -> memref<40x128xf32, #tpu.memory_space<hbm>>
      %dma_start3A_344 = arith.constant 0 : i32
      %dma_start3A_345 = tpu.memref_slice %arg7[%add3A_336, %dma_start3A_344] : memref<320000x128xf32, #tpu.memory_space<hbm>> -> memref<40x128xf32, #tpu.memory_space<hbm>>
      tpu.enqueue_dma source(%dma_start3A_345 : memref<40x128xf32, #tpu.memory_space<hbm>>) target(%arg20 : memref<40x128xf32, #tpu.memory_space<vmem>>) target_semaphore(%arg26 : memref<!tpu.dma_semaphore, #tpu.memory_space<semaphore_mem>>)
      %dma_wait3A_346 = arith.constant 0 : i32
      %dma_wait3A_347 = arith.constant 0 : i32
      %dma_wait3A_348 = tpu.memref_slice %arg6[%dma_wait3A_346, %dma_wait3A_347] : memref<10000x256xf32, #tpu.memory_space<hbm>> -> memref<10000x256xf32, #tpu.memory_space<hbm>>
      tpu.wait_indirect_dma semaphore(%arg27 : memref<!tpu.dma_semaphore, #tpu.memory_space<semaphore_mem>>) src(%dma_wait3A_348 : memref<10000x256xf32, #tpu.memory_space<hbm>>) dst(%arg19 : memref<40x256xf32, #tpu.memory_space<vmem>>)
      %dma_wait3A_349 = arith.constant 0 : i32
      %dma_wait3A_350 = arith.constant 0 : i32
      %dma_wait3A_351 = tpu.memref_slice %arg5[%dma_wait3A_349, %dma_wait3A_350] : memref<10000x128xf32, #tpu.memory_space<hbm>> -> memref<40x128xf32, #tpu.memory_space<hbm>>
      %dma_wait3A_352 = arith.constant 0 : i32
      %dma_wait3A_353 = arith.constant 0 : i32
      %dma_wait3A_354 = tpu.memref_slice %arg5[%dma_wait3A_352, %dma_wait3A_353] : memref<10000x128xf32, #tpu.memory_space<hbm>> -> memref<40x128xf32, #tpu.memory_space<hbm>>
      tpu.wait_dma2 semaphore(%arg26 : memref<!tpu.dma_semaphore, #tpu.memory_space<semaphore_mem>>) src(%dma_wait3A_354 : memref<40x128xf32, #tpu.memory_space<hbm>>) dst(%arg18 : memref<40x128xf32, #tpu.memory_space<vmem>>)
      %dma_wait3A_355 = arith.constant 0 : i32
      %dma_wait3A_356 = arith.constant 0 : i32
      %dma_wait3A_357 = tpu.memref_slice %arg7[%dma_wait3A_355, %dma_wait3A_356] : memref<320000x128xf32, #tpu.memory_space<hbm>> -> memref<40x128xf32, #tpu.memory_space<hbm>>
      %dma_wait3A_358 = arith.constant 0 : i32
      %dma_wait3A_359 = arith.constant 0 : i32
      %dma_wait3A_360 = tpu.memref_slice %arg7[%dma_wait3A_358, %dma_wait3A_359] : memref<320000x128xf32, #tpu.memory_space<hbm>> -> memref<40x128xf32, #tpu.memory_space<hbm>>
      tpu.wait_dma2 semaphore(%arg26 : memref<!tpu.dma_semaphore, #tpu.memory_space<semaphore_mem>>) src(%dma_wait3A_360 : memref<40x128xf32, #tpu.memory_space<hbm>>) dst(%arg20 : memref<40x128xf32, #tpu.memory_space<vmem>>)
      %scan3A_361 = arith.constant 0 : i32
      %scan3A_362 = arith.constant 0 : i32
      %scan3A_363 = arith.constant 40 : i32
      %scan3A_364 = arith.addi %scan3A_362, %scan3A_363 : i32
      %scan3A_365 = arith.constant 1 : i32
      scf.for %scan3A_476 = %scan3A_362 to %scan3A_364 step %scan3A_365  : i32 {
        %shift_right_arithmetic3A = arith.constant 3 : i32
        %shift_right_arithmetic3A_477 = arith.shrsi %scan3A_476, %shift_right_arithmetic3A : i32
        %shift_left3A = arith.constant 4 : i32
        %shift_left3A_478 = arith.shli %shift_right_arithmetic3A_477, %shift_left3A : i32
        %and3A_479 = arith.constant 7 : i32
        %and3A_480 = arith.andi %scan3A_476, %and3A_479 : i32
        %add3A_481 = arith.addi %shift_left3A_478, %and3A_480 : i32
        %get3A = arith.index_cast %scan3A_476 : i32 to index
        %get3A_482 = arith.constant 0 : index
        %get3A_483 = tpu.vector_load %arg18[%get3A, %get3A_482] {strides = array<i32>} : memref<40x128xf32, #tpu.memory_space<vmem>>, vector<16xf32>,
        %get3A_484 = arith.index_cast %scan3A_476 : i32 to index
        %get3A_485 = arith.constant 0 : index
        %get3A_486 = tpu.vector_load %arg19[%get3A_484, %get3A_485] {strides = array<i32>} : memref<40x256xf32, #tpu.memory_space<vmem>>, vector<16xf32>,
        %get3A_487 = arith.index_cast %scan3A_476 : i32 to index
        %get3A_488 = arith.constant 128 : index
        %get3A_489 = tpu.vector_load %arg19[%get3A_487, %get3A_488] {strides = array<i32>} : memref<40x256xf32, #tpu.memory_space<vmem>>, vector<16xf32>,
        %get3A_490 = arith.index_cast %scan3A_476 : i32 to index
        %get3A_491 = arith.constant 0 : index
        %get3A_492 = tpu.vector_load %arg20[%get3A_490, %get3A_491] {strides = array<i32>} : memref<40x128xf32, #tpu.memory_space<vmem>>, vector<16xf32>,
        %add3A_493 = arith.addf %get3A_486, %get3A_492 : vector<16xf32>
        %mul3A_494 = arith.mulf %get3A_483, %add3A_493 : vector<16xf32>
        %reduce_sum3A = arith.constant true
        %reduce_sum3A_495 = vector.broadcast %reduce_sum3A : i1 to vector<16xi1>
        %reduce_sum3A_496 = tpu.scan <sum>, %mul3A_494 masked %reduce_sum3A_495 : vector<16xf32>, vector<16xi1> -> vector<16xf32>
        %reduce_sum3A_497 = vector.extract %reduce_sum3A_496[15] : f32 from vector<16xf32>
        %mul3A_498 = arith.constant 2.500000e-01 : f32
        %mul3A_499 = arith.mulf %reduce_sum3A_497, %mul3A_498 : f32
        %broadcast_in_dim3A_500 = vector.broadcast %mul3A_499 : f32 to vector<16xf32>
        %exp3A = math.exp %broadcast_in_dim3A_500 : vector<16xf32>
        %add3A_501 = arith.addf %get3A_489, %get3A_492 : vector<16xf32>
        %mul3A_502 = arith.mulf %add3A_501, %exp3A : vector<16xf32>
        %swap3A = arith.index_cast %add3A_481 : i32 to index
        %swap3A_503 = arith.constant 0 : index
        %swap3A_504 = tpu.vector_load %arg21[%swap3A, %swap3A_503] {strides = array<i32>} : memref<80x128xf32, #tpu.memory_space<vmem>>, vector<16xf32>,
        tpu.vector_store %arg21[%swap3A, %swap3A_503], %mul3A_502 {strides = array<i32>} : memref<80x128xf32, #tpu.memory_space<vmem>>, vector<16xf32>,
        %eq3A = arith.constant 0 : i32
        %eq3A_505 = vector.broadcast %eq3A : i32 to vector<16xi32>
        %eq3A_506 = arith.cmpi eq, %iota3A, %eq3A_505 : vector<16xi32>
        %select_n3A = arith.select %eq3A_506, %exp3A, %broadcast_in_dim3A_1 : vector<16xi1>, vector<16xf32>
        %get3A_507 = arith.index_cast %scan3A_476 : i32 to index
        %get3A_508 = arith.constant 16 : index
        %get3A_509 = tpu.vector_load %arg18[%get3A_507, %get3A_508] {strides = array<i32>} : memref<40x128xf32, #tpu.memory_space<vmem>>, vector<16xf32>,
        %get3A_510 = arith.index_cast %scan3A_476 : i32 to index
        %get3A_511 = arith.constant 16 : index
        %get3A_512 = tpu.vector_load %arg19[%get3A_510, %get3A_511] {strides = array<i32>} : memref<40x256xf32, #tpu.memory_space<vmem>>, vector<16xf32>,
        %get3A_513 = arith.index_cast %scan3A_476 : i32 to index
        %get3A_514 = arith.constant 144 : index
        %get3A_515 = tpu.vector_load %arg19[%get3A_513, %get3A_514] {strides = array<i32>} : memref<40x256xf32, #tpu.memory_space<vmem>>, vector<16xf32>,
        %get3A_516 = arith.index_cast %scan3A_476 : i32 to index
        %get3A_517 = arith.constant 16 : index
        %get3A_518 = tpu.vector_load %arg20[%get3A_516, %get3A_517] {strides = array<i32>} : memref<40x128xf32, #tpu.memory_space<vmem>>, vector<16xf32>,
        %add3A_519 = arith.addf %get3A_512, %get3A_518 : vector<16xf32>
        %mul3A_520 = arith.mulf %get3A_509, %add3A_519 : vector<16xf32>
        %reduce_sum3A_521 = arith.constant true
        %reduce_sum3A_522 = vector.broadcast %reduce_sum3A_521 : i1 to vector<16xi1>
        %reduce_sum3A_523 = tpu.scan <sum>, %mul3A_520 masked %reduce_sum3A_522 : vector<16xf32>, vector<16xi1> -> vector<16xf32>
        %reduce_sum3A_524 = vector.extract %reduce_sum3A_523[15] : f32 from vector<16xf32>
        %mul3A_525 = arith.constant 2.500000e-01 : f32
        %mul3A_526 = arith.mulf %reduce_sum3A_524, %mul3A_525 : f32
        %broadcast_in_dim3A_527 = vector.broadcast %mul3A_526 : f32 to vector<16xf32>
        %exp3A_528 = math.exp %broadcast_in_dim3A_527 : vector<16xf32>
        %add3A_529 = arith.addf %get3A_515, %get3A_518 : vector<16xf32>
        %mul3A_530 = arith.mulf %add3A_529, %exp3A_528 : vector<16xf32>
        %swap3A_531 = arith.index_cast %add3A_481 : i32 to index
        %swap3A_532 = arith.constant 16 : index
        %swap3A_533 = tpu.vector_load %arg21[%swap3A_531, %swap3A_532] {strides = array<i32>} : memref<80x128xf32, #tpu.memory_space<vmem>>, vector<16xf32>,
        tpu.vector_store %arg21[%swap3A_531, %swap3A_532], %mul3A_530 {strides = array<i32>} : memref<80x128xf32, #tpu.memory_space<vmem>>, vector<16xf32>,
        %eq3A_534 = arith.constant 1 : i32
        %eq3A_535 = vector.broadcast %eq3A_534 : i32 to vector<16xi32>
        %eq3A_536 = arith.cmpi eq, %iota3A, %eq3A_535 : vector<16xi32>
        %select_n3A_537 = arith.select %eq3A_536, %exp3A_528, %select_n3A : vector<16xi1>, vector<16xf32>
        %get3A_538 = arith.index_cast %scan3A_476 : i32 to index
        %get3A_539 = arith.constant 32 : index
        %get3A_540 = tpu.vector_load %arg18[%get3A_538, %get3A_539] {strides = array<i32>} : memref<40x128xf32, #tpu.memory_space<vmem>>, vector<16xf32>,
        %get3A_541 = arith.index_cast %scan3A_476 : i32 to index
        %get3A_542 = arith.constant 32 : index
        %get3A_543 = tpu.vector_load %arg19[%get3A_541, %get3A_542] {strides = array<i32>} : memref<40x256xf32, #tpu.memory_space<vmem>>, vector<16xf32>,
        %get3A_544 = arith.index_cast %scan3A_476 : i32 to index
        %get3A_545 = arith.constant 160 : index
        %get3A_546 = tpu.vector_load %arg19[%get3A_544, %get3A_545] {strides = array<i32>} : memref<40x256xf32, #tpu.memory_space<vmem>>, vector<16xf32>,
        %get3A_547 = arith.index_cast %scan3A_476 : i32 to index
        %get3A_548 = arith.constant 32 : index
        %get3A_549 = tpu.vector_load %arg20[%get3A_547, %get3A_548] {strides = array<i32>} : memref<40x128xf32, #tpu.memory_space<vmem>>, vector<16xf32>,
        %add3A_550 = arith.addf %get3A_543, %get3A_549 : vector<16xf32>
        %mul3A_551 = arith.mulf %get3A_540, %add3A_550 : vector<16xf32>
        %reduce_sum3A_552 = arith.constant true
        %reduce_sum3A_553 = vector.broadcast %reduce_sum3A_552 : i1 to vector<16xi1>
        %reduce_sum3A_554 = tpu.scan <sum>, %mul3A_551 masked %reduce_sum3A_553 : vector<16xf32>, vector<16xi1> -> vector<16xf32>
        %reduce_sum3A_555 = vector.extract %reduce_sum3A_554[15] : f32 from vector<16xf32>
        %mul3A_556 = arith.constant 2.500000e-01 : f32
        %mul3A_557 = arith.mulf %reduce_sum3A_555, %mul3A_556 : f32
        %broadcast_in_dim3A_558 = vector.broadcast %mul3A_557 : f32 to vector<16xf32>
        %exp3A_559 = math.exp %broadcast_in_dim3A_558 : vector<16xf32>
        %add3A_560 = arith.addf %get3A_546, %get3A_549 : vector<16xf32>
        %mul3A_561 = arith.mulf %add3A_560, %exp3A_559 : vector<16xf32>
        %swap3A_562 = arith.index_cast %add3A_481 : i32 to index
        %swap3A_563 = arith.constant 32 : index
        %swap3A_564 = tpu.vector_load %arg21[%swap3A_562, %swap3A_563] {strides = array<i32>} : memref<80x128xf32, #tpu.memory_space<vmem>>, vector<16xf32>,
        tpu.vector_store %arg21[%swap3A_562, %swap3A_563], %mul3A_561 {strides = array<i32>} : memref<80x128xf32, #tpu.memory_space<vmem>>, vector<16xf32>,
        %eq3A_565 = arith.constant 2 : i32
        %eq3A_566 = vector.broadcast %eq3A_565 : i32 to vector<16xi32>
        %eq3A_567 = arith.cmpi eq, %iota3A, %eq3A_566 : vector<16xi32>
        %select_n3A_568 = arith.select %eq3A_567, %exp3A_559, %select_n3A_537 : vector<16xi1>, vector<16xf32>
        %get3A_569 = arith.index_cast %scan3A_476 : i32 to index
        %get3A_570 = arith.constant 48 : index
        %get3A_571 = tpu.vector_load %arg18[%get3A_569, %get3A_570] {strides = array<i32>} : memref<40x128xf32, #tpu.memory_space<vmem>>, vector<16xf32>,
        %get3A_572 = arith.index_cast %scan3A_476 : i32 to index
        %get3A_573 = arith.constant 48 : index
        %get3A_574 = tpu.vector_load %arg19[%get3A_572, %get3A_573] {strides = array<i32>} : memref<40x256xf32, #tpu.memory_space<vmem>>, vector<16xf32>,
        %get3A_575 = arith.index_cast %scan3A_476 : i32 to index
        %get3A_576 = arith.constant 176 : index
        %get3A_577 = tpu.vector_load %arg19[%get3A_575, %get3A_576] {strides = array<i32>} : memref<40x256xf32, #tpu.memory_space<vmem>>, vector<16xf32>,
        %get3A_578 = arith.index_cast %scan3A_476 : i32 to index
        %get3A_579 = arith.constant 48 : index
        %get3A_580 = tpu.vector_load %arg20[%get3A_578, %get3A_579] {strides = array<i32>} : memref<40x128xf32, #tpu.memory_space<vmem>>, vector<16xf32>,
        %add3A_581 = arith.addf %get3A_574, %get3A_580 : vector<16xf32>
        %mul3A_582 = arith.mulf %get3A_571, %add3A_581 : vector<16xf32>
        %reduce_sum3A_583 = arith.constant true
        %reduce_sum3A_584 = vector.broadcast %reduce_sum3A_583 : i1 to vector<16xi1>
        %reduce_sum3A_585 = tpu.scan <sum>, %mul3A_582 masked %reduce_sum3A_584 : vector<16xf32>, vector<16xi1> -> vector<16xf32>
        %reduce_sum3A_586 = vector.extract %reduce_sum3A_585[15] : f32 from vector<16xf32>
        %mul3A_587 = arith.constant 2.500000e-01 : f32
        %mul3A_588 = arith.mulf %reduce_sum3A_586, %mul3A_587 : f32
        %broadcast_in_dim3A_589 = vector.broadcast %mul3A_588 : f32 to vector<16xf32>
        %exp3A_590 = math.exp %broadcast_in_dim3A_589 : vector<16xf32>
        %add3A_591 = arith.addf %get3A_577, %get3A_580 : vector<16xf32>
        %mul3A_592 = arith.mulf %add3A_591, %exp3A_590 : vector<16xf32>
        %swap3A_593 = arith.index_cast %add3A_481 : i32 to index
        %swap3A_594 = arith.constant 48 : index
        %swap3A_595 = tpu.vector_load %arg21[%swap3A_593, %swap3A_594] {strides = array<i32>} : memref<80x128xf32, #tpu.memory_space<vmem>>, vector<16xf32>,
        tpu.vector_store %arg21[%swap3A_593, %swap3A_594], %mul3A_592 {strides = array<i32>} : memref<80x128xf32, #tpu.memory_space<vmem>>, vector<16xf32>,
        %eq3A_596 = arith.constant 3 : i32
        %eq3A_597 = vector.broadcast %eq3A_596 : i32 to vector<16xi32>
        %eq3A_598 = arith.cmpi eq, %iota3A, %eq3A_597 : vector<16xi32>
        %select_n3A_599 = arith.select %eq3A_598, %exp3A_590, %select_n3A_568 : vector<16xi1>, vector<16xf32>
        %get3A_600 = arith.index_cast %scan3A_476 : i32 to index
        %get3A_601 = arith.constant 64 : index
        %get3A_602 = tpu.vector_load %arg18[%get3A_600, %get3A_601] {strides = array<i32>} : memref<40x128xf32, #tpu.memory_space<vmem>>, vector<16xf32>,
        %get3A_603 = arith.index_cast %scan3A_476 : i32 to index
        %get3A_604 = arith.constant 64 : index
        %get3A_605 = tpu.vector_load %arg19[%get3A_603, %get3A_604] {strides = array<i32>} : memref<40x256xf32, #tpu.memory_space<vmem>>, vector<16xf32>,
        %get3A_606 = arith.index_cast %scan3A_476 : i32 to index
        %get3A_607 = arith.constant 192 : index
        %get3A_608 = tpu.vector_load %arg19[%get3A_606, %get3A_607] {strides = array<i32>} : memref<40x256xf32, #tpu.memory_space<vmem>>, vector<16xf32>,
        %get3A_609 = arith.index_cast %scan3A_476 : i32 to index
        %get3A_610 = arith.constant 64 : index
        %get3A_611 = tpu.vector_load %arg20[%get3A_609, %get3A_610] {strides = array<i32>} : memref<40x128xf32, #tpu.memory_space<vmem>>, vector<16xf32>,
        %add3A_612 = arith.addf %get3A_605, %get3A_611 : vector<16xf32>
        %mul3A_613 = arith.mulf %get3A_602, %add3A_612 : vector<16xf32>
        %reduce_sum3A_614 = arith.constant true
        %reduce_sum3A_615 = vector.broadcast %reduce_sum3A_614 : i1 to vector<16xi1>
        %reduce_sum3A_616 = tpu.scan <sum>, %mul3A_613 masked %reduce_sum3A_615 : vector<16xf32>, vector<16xi1> -> vector<16xf32>
        %reduce_sum3A_617 = vector.extract %reduce_sum3A_616[15] : f32 from vector<16xf32>
        %mul3A_618 = arith.constant 2.500000e-01 : f32
        %mul3A_619 = arith.mulf %reduce_sum3A_617, %mul3A_618 : f32
        %broadcast_in_dim3A_620 = vector.broadcast %mul3A_619 : f32 to vector<16xf32>
        %exp3A_621 = math.exp %broadcast_in_dim3A_620 : vector<16xf32>
        %add3A_622 = arith.addf %get3A_608, %get3A_611 : vector<16xf32>
        %mul3A_623 = arith.mulf %add3A_622, %exp3A_621 : vector<16xf32>
        %swap3A_624 = arith.index_cast %add3A_481 : i32 to index
        %swap3A_625 = arith.constant 64 : index
        %swap3A_626 = tpu.vector_load %arg21[%swap3A_624, %swap3A_625] {strides = array<i32>} : memref<80x128xf32, #tpu.memory_space<vmem>>, vector<16xf32>,
        tpu.vector_store %arg21[%swap3A_624, %swap3A_625], %mul3A_623 {strides = array<i32>} : memref<80x128xf32, #tpu.memory_space<vmem>>, vector<16xf32>,
        %eq3A_627 = arith.constant 4 : i32
        %eq3A_628 = vector.broadcast %eq3A_627 : i32 to vector<16xi32>
        %eq3A_629 = arith.cmpi eq, %iota3A, %eq3A_628 : vector<16xi32>
        %select_n3A_630 = arith.select %eq3A_629, %exp3A_621, %select_n3A_599 : vector<16xi1>, vector<16xf32>
        %get3A_631 = arith.index_cast %scan3A_476 : i32 to index
        %get3A_632 = arith.constant 80 : index
        %get3A_633 = tpu.vector_load %arg18[%get3A_631, %get3A_632] {strides = array<i32>} : memref<40x128xf32, #tpu.memory_space<vmem>>, vector<16xf32>,
        %get3A_634 = arith.index_cast %scan3A_476 : i32 to index
        %get3A_635 = arith.constant 80 : index
        %get3A_636 = tpu.vector_load %arg19[%get3A_634, %get3A_635] {strides = array<i32>} : memref<40x256xf32, #tpu.memory_space<vmem>>, vector<16xf32>,
        %get3A_637 = arith.index_cast %scan3A_476 : i32 to index
        %get3A_638 = arith.constant 208 : index
        %get3A_639 = tpu.vector_load %arg19[%get3A_637, %get3A_638] {strides = array<i32>} : memref<40x256xf32, #tpu.memory_space<vmem>>, vector<16xf32>,
        %get3A_640 = arith.index_cast %scan3A_476 : i32 to index
        %get3A_641 = arith.constant 80 : index
        %get3A_642 = tpu.vector_load %arg20[%get3A_640, %get3A_641] {strides = array<i32>} : memref<40x128xf32, #tpu.memory_space<vmem>>, vector<16xf32>,
        %add3A_643 = arith.addf %get3A_636, %get3A_642 : vector<16xf32>
        %mul3A_644 = arith.mulf %get3A_633, %add3A_643 : vector<16xf32>
        %reduce_sum3A_645 = arith.constant true
        %reduce_sum3A_646 = vector.broadcast %reduce_sum3A_645 : i1 to vector<16xi1>
        %reduce_sum3A_647 = tpu.scan <sum>, %mul3A_644 masked %reduce_sum3A_646 : vector<16xf32>, vector<16xi1> -> vector<16xf32>
        %reduce_sum3A_648 = vector.extract %reduce_sum3A_647[15] : f32 from vector<16xf32>
        %mul3A_649 = arith.constant 2.500000e-01 : f32
        %mul3A_650 = arith.mulf %reduce_sum3A_648, %mul3A_649 : f32
        %broadcast_in_dim3A_651 = vector.broadcast %mul3A_650 : f32 to vector<16xf32>
        %exp3A_652 = math.exp %broadcast_in_dim3A_651 : vector<16xf32>
        %add3A_653 = arith.addf %get3A_639, %get3A_642 : vector<16xf32>
        %mul3A_654 = arith.mulf %add3A_653, %exp3A_652 : vector<16xf32>
        %swap3A_655 = arith.index_cast %add3A_481 : i32 to index
        %swap3A_656 = arith.constant 80 : index
        %swap3A_657 = tpu.vector_load %arg21[%swap3A_655, %swap3A_656] {strides = array<i32>} : memref<80x128xf32, #tpu.memory_space<vmem>>, vector<16xf32>,
        tpu.vector_store %arg21[%swap3A_655, %swap3A_656], %mul3A_654 {strides = array<i32>} : memref<80x128xf32, #tpu.memory_space<vmem>>, vector<16xf32>,
        %eq3A_658 = arith.constant 5 : i32
        %eq3A_659 = vector.broadcast %eq3A_658 : i32 to vector<16xi32>
        %eq3A_660 = arith.cmpi eq, %iota3A, %eq3A_659 : vector<16xi32>
        %select_n3A_661 = arith.select %eq3A_660, %exp3A_652, %select_n3A_630 : vector<16xi1>, vector<16xf32>
        %get3A_662 = arith.index_cast %scan3A_476 : i32 to index
        %get3A_663 = arith.constant 96 : index
        %get3A_664 = tpu.vector_load %arg18[%get3A_662, %get3A_663] {strides = array<i32>} : memref<40x128xf32, #tpu.memory_space<vmem>>, vector<16xf32>,
        %get3A_665 = arith.index_cast %scan3A_476 : i32 to index
        %get3A_666 = arith.constant 96 : index
        %get3A_667 = tpu.vector_load %arg19[%get3A_665, %get3A_666] {strides = array<i32>} : memref<40x256xf32, #tpu.memory_space<vmem>>, vector<16xf32>,
        %get3A_668 = arith.index_cast %scan3A_476 : i32 to index
        %get3A_669 = arith.constant 224 : index
        %get3A_670 = tpu.vector_load %arg19[%get3A_668, %get3A_669] {strides = array<i32>} : memref<40x256xf32, #tpu.memory_space<vmem>>, vector<16xf32>,
        %get3A_671 = arith.index_cast %scan3A_476 : i32 to index
        %get3A_672 = arith.constant 96 : index
        %get3A_673 = tpu.vector_load %arg20[%get3A_671, %get3A_672] {strides = array<i32>} : memref<40x128xf32, #tpu.memory_space<vmem>>, vector<16xf32>,
        %add3A_674 = arith.addf %get3A_667, %get3A_673 : vector<16xf32>
        %mul3A_675 = arith.mulf %get3A_664, %add3A_674 : vector<16xf32>
        %reduce_sum3A_676 = arith.constant true
        %reduce_sum3A_677 = vector.broadcast %reduce_sum3A_676 : i1 to vector<16xi1>
        %reduce_sum3A_678 = tpu.scan <sum>, %mul3A_675 masked %reduce_sum3A_677 : vector<16xf32>, vector<16xi1> -> vector<16xf32>
        %reduce_sum3A_679 = vector.extract %reduce_sum3A_678[15] : f32 from vector<16xf32>
        %mul3A_680 = arith.constant 2.500000e-01 : f32
        %mul3A_681 = arith.mulf %reduce_sum3A_679, %mul3A_680 : f32
        %broadcast_in_dim3A_682 = vector.broadcast %mul3A_681 : f32 to vector<16xf32>
        %exp3A_683 = math.exp %broadcast_in_dim3A_682 : vector<16xf32>
        %add3A_684 = arith.addf %get3A_670, %get3A_673 : vector<16xf32>
        %mul3A_685 = arith.mulf %add3A_684, %exp3A_683 : vector<16xf32>
        %swap3A_686 = arith.index_cast %add3A_481 : i32 to index
        %swap3A_687 = arith.constant 96 : index
        %swap3A_688 = tpu.vector_load %arg21[%swap3A_686, %swap3A_687] {strides = array<i32>} : memref<80x128xf32, #tpu.memory_space<vmem>>, vector<16xf32>,
        tpu.vector_store %arg21[%swap3A_686, %swap3A_687], %mul3A_685 {strides = array<i32>} : memref<80x128xf32, #tpu.memory_space<vmem>>, vector<16xf32>,
        %eq3A_689 = arith.constant 6 : i32
        %eq3A_690 = vector.broadcast %eq3A_689 : i32 to vector<16xi32>
        %eq3A_691 = arith.cmpi eq, %iota3A, %eq3A_690 : vector<16xi32>
        %select_n3A_692 = arith.select %eq3A_691, %exp3A_683, %select_n3A_661 : vector<16xi1>, vector<16xf32>
        %get3A_693 = arith.index_cast %scan3A_476 : i32 to index
        %get3A_694 = arith.constant 112 : index
        %get3A_695 = tpu.vector_load %arg18[%get3A_693, %get3A_694] {strides = array<i32>} : memref<40x128xf32, #tpu.memory_space<vmem>>, vector<16xf32>,
        %get3A_696 = arith.index_cast %scan3A_476 : i32 to index
        %get3A_697 = arith.constant 112 : index
        %get3A_698 = tpu.vector_load %arg19[%get3A_696, %get3A_697] {strides = array<i32>} : memref<40x256xf32, #tpu.memory_space<vmem>>, vector<16xf32>,
        %get3A_699 = arith.index_cast %scan3A_476 : i32 to index
        %get3A_700 = arith.constant 240 : index
        %get3A_701 = tpu.vector_load %arg19[%get3A_699, %get3A_700] {strides = array<i32>} : memref<40x256xf32, #tpu.memory_space<vmem>>, vector<16xf32>,
        %get3A_702 = arith.index_cast %scan3A_476 : i32 to index
        %get3A_703 = arith.constant 112 : index
        %get3A_704 = tpu.vector_load %arg20[%get3A_702, %get3A_703] {strides = array<i32>} : memref<40x128xf32, #tpu.memory_space<vmem>>, vector<16xf32>,
        %add3A_705 = arith.addf %get3A_698, %get3A_704 : vector<16xf32>
        %mul3A_706 = arith.mulf %get3A_695, %add3A_705 : vector<16xf32>
        %reduce_sum3A_707 = arith.constant true
        %reduce_sum3A_708 = vector.broadcast %reduce_sum3A_707 : i1 to vector<16xi1>
        %reduce_sum3A_709 = tpu.scan <sum>, %mul3A_706 masked %reduce_sum3A_708 : vector<16xf32>, vector<16xi1> -> vector<16xf32>
        %reduce_sum3A_710 = vector.extract %reduce_sum3A_709[15] : f32 from vector<16xf32>
        %mul3A_711 = arith.constant 2.500000e-01 : f32
        %mul3A_712 = arith.mulf %reduce_sum3A_710, %mul3A_711 : f32
        %broadcast_in_dim3A_713 = vector.broadcast %mul3A_712 : f32 to vector<16xf32>
        %exp3A_714 = math.exp %broadcast_in_dim3A_713 : vector<16xf32>
        %add3A_715 = arith.addf %get3A_701, %get3A_704 : vector<16xf32>
        %mul3A_716 = arith.mulf %add3A_715, %exp3A_714 : vector<16xf32>
        %swap3A_717 = arith.index_cast %add3A_481 : i32 to index
        %swap3A_718 = arith.constant 112 : index
        %swap3A_719 = tpu.vector_load %arg21[%swap3A_717, %swap3A_718] {strides = array<i32>} : memref<80x128xf32, #tpu.memory_space<vmem>>, vector<16xf32>,
        tpu.vector_store %arg21[%swap3A_717, %swap3A_718], %mul3A_716 {strides = array<i32>} : memref<80x128xf32, #tpu.memory_space<vmem>>, vector<16xf32>,
        %eq3A_720 = arith.constant 7 : i32
        %eq3A_721 = vector.broadcast %eq3A_720 : i32 to vector<16xi32>
        %eq3A_722 = arith.cmpi eq, %iota3A, %eq3A_721 : vector<16xi32>
        %select_n3A_723 = arith.select %eq3A_722, %exp3A_714, %select_n3A_692 : vector<16xi1>, vector<16xf32>
        %get3A_724 = arith.index_cast %scan3A_476 : i32 to index
        %get3A_725 = tpu.vector_load %arg14[%get3A_724] {strides = array<i32>} : memref<56xi32, #tpu.memory_space<vmem>>, vector<16xi32>,
        %slice3A = vector.extract_strided_slice %get3A_725 {offsets = [0], sizes = [1], strides = [1]} : vector<16xi32> to vector<1xi32>
        %squeeze3A = vector.extract %slice3A[0] : i32 from vector<1xi32>
        %and3A_726 = arith.constant 7 : i32
        %and3A_727 = arith.andi %squeeze3A, %and3A_726 : i32
        %eq3A_728 = arith.constant 0 : i32
        %eq3A_729 = arith.cmpi eq, %and3A_727, %eq3A_728 : i32
        %select_n3A_730 = arith.select %eq3A_729, %select_n3A_723, %broadcast_in_dim3A_1 : vector<16xf32>
        %add3A_731 = arith.constant 8 : i32
        %add3A_732 = arith.addi %add3A_481, %add3A_731 : i32
        %swap3A_733 = arith.index_cast %add3A_732 : i32 to index
        %swap3A_734 = arith.constant 0 : index
        %swap3A_735 = tpu.vector_load %arg21[%swap3A_733, %swap3A_734] {strides = array<i32>} : memref<80x128xf32, #tpu.memory_space<vmem>>, vector<16xf32>,
        tpu.vector_store %arg21[%swap3A_733, %swap3A_734], %select_n3A_730 {strides = array<i32>} : memref<80x128xf32, #tpu.memory_space<vmem>>, vector<16xf32>,
        %eq3A_736 = arith.constant 1 : i32
        %eq3A_737 = arith.cmpi eq, %and3A_727, %eq3A_736 : i32
        %select_n3A_738 = arith.select %eq3A_737, %select_n3A_723, %broadcast_in_dim3A_1 : vector<16xf32>
        %add3A_739 = arith.constant 8 : i32
        %add3A_740 = arith.addi %add3A_481, %add3A_739 : i32
        %swap3A_741 = arith.index_cast %add3A_740 : i32 to index
        %swap3A_742 = arith.constant 16 : index
        %swap3A_743 = tpu.vector_load %arg21[%swap3A_741, %swap3A_742] {strides = array<i32>} : memref<80x128xf32, #tpu.memory_space<vmem>>, vector<16xf32>,
        tpu.vector_store %arg21[%swap3A_741, %swap3A_742], %select_n3A_738 {strides = array<i32>} : memref<80x128xf32, #tpu.memory_space<vmem>>, vector<16xf32>,
        %eq3A_744 = arith.constant 2 : i32
        %eq3A_745 = arith.cmpi eq, %and3A_727, %eq3A_744 : i32
        %select_n3A_746 = arith.select %eq3A_745, %select_n3A_723, %broadcast_in_dim3A_1 : vector<16xf32>
        %add3A_747 = arith.constant 8 : i32
        %add3A_748 = arith.addi %add3A_481, %add3A_747 : i32
        %swap3A_749 = arith.index_cast %add3A_748 : i32 to index
        %swap3A_750 = arith.constant 32 : index
        %swap3A_751 = tpu.vector_load %arg21[%swap3A_749, %swap3A_750] {strides = array<i32>} : memref<80x128xf32, #tpu.memory_space<vmem>>, vector<16xf32>,
        tpu.vector_store %arg21[%swap3A_749, %swap3A_750], %select_n3A_746 {strides = array<i32>} : memref<80x128xf32, #tpu.memory_space<vmem>>, vector<16xf32>,
        %eq3A_752 = arith.constant 3 : i32
        %eq3A_753 = arith.cmpi eq, %and3A_727, %eq3A_752 : i32
        %select_n3A_754 = arith.select %eq3A_753, %select_n3A_723, %broadcast_in_dim3A_1 : vector<16xf32>
        %add3A_755 = arith.constant 8 : i32
        %add3A_756 = arith.addi %add3A_481, %add3A_755 : i32
        %swap3A_757 = arith.index_cast %add3A_756 : i32 to index
        %swap3A_758 = arith.constant 48 : index
        %swap3A_759 = tpu.vector_load %arg21[%swap3A_757, %swap3A_758] {strides = array<i32>} : memref<80x128xf32, #tpu.memory_space<vmem>>, vector<16xf32>,
        tpu.vector_store %arg21[%swap3A_757, %swap3A_758], %select_n3A_754 {strides = array<i32>} : memref<80x128xf32, #tpu.memory_space<vmem>>, vector<16xf32>,
        %eq3A_760 = arith.constant 4 : i32
        %eq3A_761 = arith.cmpi eq, %and3A_727, %eq3A_760 : i32
        %select_n3A_762 = arith.select %eq3A_761, %select_n3A_723, %broadcast_in_dim3A_1 : vector<16xf32>
        %add3A_763 = arith.constant 8 : i32
        %add3A_764 = arith.addi %add3A_481, %add3A_763 : i32
        %swap3A_765 = arith.index_cast %add3A_764 : i32 to index
        %swap3A_766 = arith.constant 64 : index
        %swap3A_767 = tpu.vector_load %arg21[%swap3A_765, %swap3A_766] {strides = array<i32>} : memref<80x128xf32, #tpu.memory_space<vmem>>, vector<16xf32>,
        tpu.vector_store %arg21[%swap3A_765, %swap3A_766], %select_n3A_762 {strides = array<i32>} : memref<80x128xf32, #tpu.memory_space<vmem>>, vector<16xf32>,
        %eq3A_768 = arith.constant 5 : i32
        %eq3A_769 = arith.cmpi eq, %and3A_727, %eq3A_768 : i32
        %select_n3A_770 = arith.select %eq3A_769, %select_n3A_723, %broadcast_in_dim3A_1 : vector<16xf32>
        %add3A_771 = arith.constant 8 : i32
        %add3A_772 = arith.addi %add3A_481, %add3A_771 : i32
        %swap3A_773 = arith.index_cast %add3A_772 : i32 to index
        %swap3A_774 = arith.constant 80 : index
        %swap3A_775 = tpu.vector_load %arg21[%swap3A_773, %swap3A_774] {strides = array<i32>} : memref<80x128xf32, #tpu.memory_space<vmem>>, vector<16xf32>,
        tpu.vector_store %arg21[%swap3A_773, %swap3A_774], %select_n3A_770 {strides = array<i32>} : memref<80x128xf32, #tpu.memory_space<vmem>>, vector<16xf32>,
        %eq3A_776 = arith.constant 6 : i32
        %eq3A_777 = arith.cmpi eq, %and3A_727, %eq3A_776 : i32
        %select_n3A_778 = arith.select %eq3A_777, %select_n3A_723, %broadcast_in_dim3A_1 : vector<16xf32>
        %add3A_779 = arith.constant 8 : i32
        %add3A_780 = arith.addi %add3A_481, %add3A_779 : i32
        %swap3A_781 = arith.index_cast %add3A_780 : i32 to index
        %swap3A_782 = arith.constant 96 : index
        %swap3A_783 = tpu.vector_load %arg21[%swap3A_781, %swap3A_782] {strides = array<i32>} : memref<80x128xf32, #tpu.memory_space<vmem>>, vector<16xf32>,
        tpu.vector_store %arg21[%swap3A_781, %swap3A_782], %select_n3A_778 {strides = array<i32>} : memref<80x128xf32, #tpu.memory_space<vmem>>, vector<16xf32>,
        %eq3A_784 = arith.constant 7 : i32
        %eq3A_785 = arith.cmpi eq, %and3A_727, %eq3A_784 : i32
        %select_n3A_786 = arith.select %eq3A_785, %select_n3A_723, %broadcast_in_dim3A_1 : vector<16xf32>
        %add3A_787 = arith.constant 8 : i32
        %add3A_788 = arith.addi %add3A_481, %add3A_787 : i32
        %swap3A_789 = arith.index_cast %add3A_788 : i32 to index
        %swap3A_790 = arith.constant 112 : index
        %swap3A_791 = tpu.vector_load %arg21[%swap3A_789, %swap3A_790] {strides = array<i32>} : memref<80x128xf32, #tpu.memory_space<vmem>>, vector<16xf32>,
        tpu.vector_store %arg21[%swap3A_789, %swap3A_790], %select_n3A_786 {strides = array<i32>} : memref<80x128xf32, #tpu.memory_space<vmem>>, vector<16xf32>,
      }
      %scan3A_366 = arith.constant 40 : i32
      %min3A_367 = arith.constant 249 : i32
      %min3A_368 = arith.minsi %add3A_278, %min3A_367 : i32
      %mul3A_369 = arith.constant 1250 : i32
      %mul3A_370 = arith.muli %add3A, %mul3A_369 : i32
      %mul3A_371 = arith.constant 5 : i32
      %mul3A_372 = arith.muli %min3A_368, %mul3A_371 : i32
      %add3A_373 = arith.addi %mul3A_370, %mul3A_372 : i32
      %and3A_374 = arith.constant 7 : i32
      %and3A_375 = arith.andi %add3A_373, %and3A_374 : i32
      %add3A_376 = arith.constant 0 : i32
      %add3A_377 = arith.addi %add3A_376, %and3A_375 : i32
      %dma_start3A_378 = arith.constant 0 : i32
      %dma_start3A_379 = arith.constant 0 : i32
      %dma_start3A_380 = tpu.memref_slice %arg21[%dma_start3A_378, %dma_start3A_379] : memref<80x128xf32, #tpu.memory_space<vmem>> -> memref<16x128xf32, #tpu.memory_space<vmem>>
      %dma_start3A_381 = arith.constant 0 : i32
      %dma_start3A_382 = tpu.memref_slice %arg16[%add3A_377, %dma_start3A_381] : memref<16x16xi32, #tpu.memory_space<vmem>> -> memref<1x16xi32, #tpu.memory_space<vmem>>
      %dma_start3A_383 = tpu.memref_squeeze %dma_start3A_382 : memref<1x16xi32, #tpu.memory_space<vmem>> -> memref<16xi32, #tpu.memory_space<vmem>>
      %dma_start3A_384 = arith.constant 0 : i32
      %dma_start3A_385 = arith.constant 0 : i32
      %dma_start3A_386 = tpu.memref_slice %arg23[%dma_start3A_384, %dma_start3A_385] : memref<11520x128xf32, #tpu.memory_space<vmem_shared>> -> memref<11520x128xf32, #tpu.memory_space<vmem_shared>>
      tpu.enqueue_indirect_dma source(%dma_start3A_380 : memref<16x128xf32, #tpu.memory_space<vmem>>) target(%dma_start3A_386 : memref<11520x128xf32, #tpu.memory_space<vmem_shared>>) offsets(%dma_start3A_383 : memref<16xi32, #tpu.memory_space<vmem>>) semaphore(%arg28 : memref<!tpu.dma_semaphore, #tpu.memory_space<semaphore_mem>>) {add = true}
      %add3A_387 = arith.constant 1 : i32
      %add3A_388 = arith.addi %add3A_387, %and3A_375 : i32
      %dma_start3A_389 = arith.constant 16 : i32
      %dma_start3A_390 = arith.constant 0 : i32
      %dma_start3A_391 = tpu.memref_slice %arg21[%dma_start3A_389, %dma_start3A_390] : memref<80x128xf32, #tpu.memory_space<vmem>> -> memref<16x128xf32, #tpu.memory_space<vmem>>
      %dma_start3A_392 = arith.constant 0 : i32
      %dma_start3A_393 = tpu.memref_slice %arg16[%add3A_388, %dma_start3A_392] : memref<16x16xi32, #tpu.memory_space<vmem>> -> memref<1x16xi32, #tpu.memory_space<vmem>>
      %dma_start3A_394 = tpu.memref_squeeze %dma_start3A_393 : memref<1x16xi32, #tpu.memory_space<vmem>> -> memref<16xi32, #tpu.memory_space<vmem>>
      %dma_start3A_395 = arith.constant 0 : i32
      %dma_start3A_396 = arith.constant 0 : i32
      %dma_start3A_397 = tpu.memref_slice %arg23[%dma_start3A_395, %dma_start3A_396] : memref<11520x128xf32, #tpu.memory_space<vmem_shared>> -> memref<11520x128xf32, #tpu.memory_space<vmem_shared>>
      tpu.enqueue_indirect_dma source(%dma_start3A_391 : memref<16x128xf32, #tpu.memory_space<vmem>>) target(%dma_start3A_397 : memref<11520x128xf32, #tpu.memory_space<vmem_shared>>) offsets(%dma_start3A_394 : memref<16xi32, #tpu.memory_space<vmem>>) semaphore(%arg28 : memref<!tpu.dma_semaphore, #tpu.memory_space<semaphore_mem>>) {add = true}
      %add3A_398 = arith.constant 2 : i32
      %add3A_399 = arith.addi %add3A_398, %and3A_375 : i32
      %dma_start3A_400 = arith.constant 32 : i32
      %dma_start3A_401 = arith.constant 0 : i32
      %dma_start3A_402 = tpu.memref_slice %arg21[%dma_start3A_400, %dma_start3A_401] : memref<80x128xf32, #tpu.memory_space<vmem>> -> memref<16x128xf32, #tpu.memory_space<vmem>>
      %dma_start3A_403 = arith.constant 0 : i32
      %dma_start3A_404 = tpu.memref_slice %arg16[%add3A_399, %dma_start3A_403] : memref<16x16xi32, #tpu.memory_space<vmem>> -> memref<1x16xi32, #tpu.memory_space<vmem>>
      %dma_start3A_405 = tpu.memref_squeeze %dma_start3A_404 : memref<1x16xi32, #tpu.memory_space<vmem>> -> memref<16xi32, #tpu.memory_space<vmem>>
      %dma_start3A_406 = arith.constant 0 : i32
      %dma_start3A_407 = arith.constant 0 : i32
      %dma_start3A_408 = tpu.memref_slice %arg23[%dma_start3A_406, %dma_start3A_407] : memref<11520x128xf32, #tpu.memory_space<vmem_shared>> -> memref<11520x128xf32, #tpu.memory_space<vmem_shared>>
      tpu.enqueue_indirect_dma source(%dma_start3A_402 : memref<16x128xf32, #tpu.memory_space<vmem>>) target(%dma_start3A_408 : memref<11520x128xf32, #tpu.memory_space<vmem_shared>>) offsets(%dma_start3A_405 : memref<16xi32, #tpu.memory_space<vmem>>) semaphore(%arg28 : memref<!tpu.dma_semaphore, #tpu.memory_space<semaphore_mem>>) {add = true}
      %add3A_409 = arith.constant 3 : i32
      %add3A_410 = arith.addi %add3A_409, %and3A_375 : i32
      %dma_start3A_411 = arith.constant 48 : i32
      %dma_start3A_412 = arith.constant 0 : i32
      %dma_start3A_413 = tpu.memref_slice %arg21[%dma_start3A_411, %dma_start3A_412] : memref<80x128xf32, #tpu.memory_space<vmem>> -> memref<16x128xf32, #tpu.memory_space<vmem>>
      %dma_start3A_414 = arith.constant 0 : i32
      %dma_start3A_415 = tpu.memref_slice %arg16[%add3A_410, %dma_start3A_414] : memref<16x16xi32, #tpu.memory_space<vmem>> -> memref<1x16xi32, #tpu.memory_space<vmem>>
      %dma_start3A_416 = tpu.memref_squeeze %dma_start3A_415 : memref<1x16xi32, #tpu.memory_space<vmem>> -> memref<16xi32, #tpu.memory_space<vmem>>
      %dma_start3A_417 = arith.constant 0 : i32
      %dma_start3A_418 = arith.constant 0 : i32
      %dma_start3A_419 = tpu.memref_slice %arg23[%dma_start3A_417, %dma_start3A_418] : memref<11520x128xf32, #tpu.memory_space<vmem_shared>> -> memref<11520x128xf32, #tpu.memory_space<vmem_shared>>
      tpu.enqueue_indirect_dma source(%dma_start3A_413 : memref<16x128xf32, #tpu.memory_space<vmem>>) target(%dma_start3A_419 : memref<11520x128xf32, #tpu.memory_space<vmem_shared>>) offsets(%dma_start3A_416 : memref<16xi32, #tpu.memory_space<vmem>>) semaphore(%arg28 : memref<!tpu.dma_semaphore, #tpu.memory_space<semaphore_mem>>) {add = true}
      %add3A_420 = arith.constant 4 : i32
      %add3A_421 = arith.addi %add3A_420, %and3A_375 : i32
      %dma_start3A_422 = arith.constant 64 : i32
      %dma_start3A_423 = arith.constant 0 : i32
      %dma_start3A_424 = tpu.memref_slice %arg21[%dma_start3A_422, %dma_start3A_423] : memref<80x128xf32, #tpu.memory_space<vmem>> -> memref<16x128xf32, #tpu.memory_space<vmem>>
      %dma_start3A_425 = arith.constant 0 : i32
      %dma_start3A_426 = tpu.memref_slice %arg16[%add3A_421, %dma_start3A_425] : memref<16x16xi32, #tpu.memory_space<vmem>> -> memref<1x16xi32, #tpu.memory_space<vmem>>
      %dma_start3A_427 = tpu.memref_squeeze %dma_start3A_426 : memref<1x16xi32, #tpu.memory_space<vmem>> -> memref<16xi32, #tpu.memory_space<vmem>>
      %dma_start3A_428 = arith.constant 0 : i32
      %dma_start3A_429 = arith.constant 0 : i32
      %dma_start3A_430 = tpu.memref_slice %arg23[%dma_start3A_428, %dma_start3A_429] : memref<11520x128xf32, #tpu.memory_space<vmem_shared>> -> memref<11520x128xf32, #tpu.memory_space<vmem_shared>>
      tpu.enqueue_indirect_dma source(%dma_start3A_424 : memref<16x128xf32, #tpu.memory_space<vmem>>) target(%dma_start3A_430 : memref<11520x128xf32, #tpu.memory_space<vmem_shared>>) offsets(%dma_start3A_427 : memref<16xi32, #tpu.memory_space<vmem>>) semaphore(%arg28 : memref<!tpu.dma_semaphore, #tpu.memory_space<semaphore_mem>>) {add = true}
      %dma_wait3A_431 = arith.constant 0 : i32
      %dma_wait3A_432 = arith.constant 0 : i32
      %dma_wait3A_433 = tpu.memref_slice %arg21[%dma_wait3A_431, %dma_wait3A_432] : memref<80x128xf32, #tpu.memory_space<vmem>> -> memref<16x128xf32, #tpu.memory_space<vmem>>
      %dma_wait3A_434 = arith.constant 0 : i32
      %dma_wait3A_435 = tpu.memref_slice %arg16[%add3A_377, %dma_wait3A_434] : memref<16x16xi32, #tpu.memory_space<vmem>> -> memref<1x16xi32, #tpu.memory_space<vmem>>
      %dma_wait3A_436 = tpu.memref_squeeze %dma_wait3A_435 : memref<1x16xi32, #tpu.memory_space<vmem>> -> memref<16xi32, #tpu.memory_space<vmem>>
      %dma_wait3A_437 = arith.constant 0 : i32
      %dma_wait3A_438 = arith.constant 0 : i32
      %dma_wait3A_439 = tpu.memref_slice %arg23[%dma_wait3A_437, %dma_wait3A_438] : memref<11520x128xf32, #tpu.memory_space<vmem_shared>> -> memref<11520x128xf32, #tpu.memory_space<vmem_shared>>
      tpu.wait_indirect_dma semaphore(%arg28 : memref<!tpu.dma_semaphore, #tpu.memory_space<semaphore_mem>>) src(%dma_wait3A_433 : memref<16x128xf32, #tpu.memory_space<vmem>>) dst(%dma_wait3A_439 : memref<11520x128xf32, #tpu.memory_space<vmem_shared>>)
      %dma_wait3A_440 = arith.constant 16 : i32
      %dma_wait3A_441 = arith.constant 0 : i32
      %dma_wait3A_442 = tpu.memref_slice %arg21[%dma_wait3A_440, %dma_wait3A_441] : memref<80x128xf32, #tpu.memory_space<vmem>> -> memref<16x128xf32, #tpu.memory_space<vmem>>
      %dma_wait3A_443 = arith.constant 0 : i32
      %dma_wait3A_444 = tpu.memref_slice %arg16[%add3A_388, %dma_wait3A_443] : memref<16x16xi32, #tpu.memory_space<vmem>> -> memref<1x16xi32, #tpu.memory_space<vmem>>
      %dma_wait3A_445 = tpu.memref_squeeze %dma_wait3A_444 : memref<1x16xi32, #tpu.memory_space<vmem>> -> memref<16xi32, #tpu.memory_space<vmem>>
      %dma_wait3A_446 = arith.constant 0 : i32
      %dma_wait3A_447 = arith.constant 0 : i32
      %dma_wait3A_448 = tpu.memref_slice %arg23[%dma_wait3A_446, %dma_wait3A_447] : memref<11520x128xf32, #tpu.memory_space<vmem_shared>> -> memref<11520x128xf32, #tpu.memory_space<vmem_shared>>
      tpu.wait_indirect_dma semaphore(%arg28 : memref<!tpu.dma_semaphore, #tpu.memory_space<semaphore_mem>>) src(%dma_wait3A_442 : memref<16x128xf32, #tpu.memory_space<vmem>>) dst(%dma_wait3A_448 : memref<11520x128xf32, #tpu.memory_space<vmem_shared>>)
      %dma_wait3A_449 = arith.constant 32 : i32
      %dma_wait3A_450 = arith.constant 0 : i32
      %dma_wait3A_451 = tpu.memref_slice %arg21[%dma_wait3A_449, %dma_wait3A_450] : memref<80x128xf32, #tpu.memory_space<vmem>> -> memref<16x128xf32, #tpu.memory_space<vmem>>
      %dma_wait3A_452 = arith.constant 0 : i32
      %dma_wait3A_453 = tpu.memref_slice %arg16[%add3A_399, %dma_wait3A_452] : memref<16x16xi32, #tpu.memory_space<vmem>> -> memref<1x16xi32, #tpu.memory_space<vmem>>
      %dma_wait3A_454 = tpu.memref_squeeze %dma_wait3A_453 : memref<1x16xi32, #tpu.memory_space<vmem>> -> memref<16xi32, #tpu.memory_space<vmem>>
      %dma_wait3A_455 = arith.constant 0 : i32
      %dma_wait3A_456 = arith.constant 0 : i32
      %dma_wait3A_457 = tpu.memref_slice %arg23[%dma_wait3A_455, %dma_wait3A_456] : memref<11520x128xf32, #tpu.memory_space<vmem_shared>> -> memref<11520x128xf32, #tpu.memory_space<vmem_shared>>
      tpu.wait_indirect_dma semaphore(%arg28 : memref<!tpu.dma_semaphore, #tpu.memory_space<semaphore_mem>>) src(%dma_wait3A_451 : memref<16x128xf32, #tpu.memory_space<vmem>>) dst(%dma_wait3A_457 : memref<11520x128xf32, #tpu.memory_space<vmem_shared>>)
      %dma_wait3A_458 = arith.constant 48 : i32
      %dma_wait3A_459 = arith.constant 0 : i32
      %dma_wait3A_460 = tpu.memref_slice %arg21[%dma_wait3A_458, %dma_wait3A_459] : memref<80x128xf32, #tpu.memory_space<vmem>> -> memref<16x128xf32, #tpu.memory_space<vmem>>
      %dma_wait3A_461 = arith.constant 0 : i32
      %dma_wait3A_462 = tpu.memref_slice %arg16[%add3A_410, %dma_wait3A_461] : memref<16x16xi32, #tpu.memory_space<vmem>> -> memref<1x16xi32, #tpu.memory_space<vmem>>
      %dma_wait3A_463 = tpu.memref_squeeze %dma_wait3A_462 : memref<1x16xi32, #tpu.memory_space<vmem>> -> memref<16xi32, #tpu.memory_space<vmem>>
      %dma_wait3A_464 = arith.constant 0 : i32
      %dma_wait3A_465 = arith.constant 0 : i32
      %dma_wait3A_466 = tpu.memref_slice %arg23[%dma_wait3A_464, %dma_wait3A_465] : memref<11520x128xf32, #tpu.memory_space<vmem_shared>> -> memref<11520x128xf32, #tpu.memory_space<vmem_shared>>
      tpu.wait_indirect_dma semaphore(%arg28 : memref<!tpu.dma_semaphore, #tpu.memory_space<semaphore_mem>>) src(%dma_wait3A_460 : memref<16x128xf32, #tpu.memory_space<vmem>>) dst(%dma_wait3A_466 : memref<11520x128xf32, #tpu.memory_space<vmem_shared>>)
      %dma_wait3A_467 = arith.constant 64 : i32
      %dma_wait3A_468 = arith.constant 0 : i32
      %dma_wait3A_469 = tpu.memref_slice %arg21[%dma_wait3A_467, %dma_wait3A_468] : memref<80x128xf32, #tpu.memory_space<vmem>> -> memref<16x128xf32, #tpu.memory_space<vmem>>
      %dma_wait3A_470 = arith.constant 0 : i32
      %dma_wait3A_471 = tpu.memref_slice %arg16[%add3A_421, %dma_wait3A_470] : memref<16x16xi32, #tpu.memory_space<vmem>> -> memref<1x16xi32, #tpu.memory_space<vmem>>
      %dma_wait3A_472 = tpu.memref_squeeze %dma_wait3A_471 : memref<1x16xi32, #tpu.memory_space<vmem>> -> memref<16xi32, #tpu.memory_space<vmem>>
      %dma_wait3A_473 = arith.constant 0 : i32
      %dma_wait3A_474 = arith.constant 0 : i32
      %dma_wait3A_475 = tpu.memref_slice %arg23[%dma_wait3A_473, %dma_wait3A_474] : memref<11520x128xf32, #tpu.memory_space<vmem_shared>> -> memref<11520x128xf32, #tpu.memory_space<vmem_shared>>
      tpu.wait_indirect_dma semaphore(%arg28 : memref<!tpu.dma_semaphore, #tpu.memory_space<semaphore_mem>>) src(%dma_wait3A_469 : memref<16x128xf32, #tpu.memory_space<vmem>>) dst(%dma_wait3A_475 : memref<11520x128xf32, #tpu.memory_space<vmem_shared>>)
    }
    %scan3A_42 = arith.constant 125 : i32
    %dma_wait3A = arith.constant 0 : i32
    %dma_wait3A_43 = tpu.memref_slice %arg2[%dma_wait3A] : memref<320000xi32, #tpu.memory_space<hbm>> -> memref<40xi32, #tpu.memory_space<hbm>>
    %dma_wait3A_44 = arith.constant 0 : i32
    %dma_wait3A_45 = tpu.memref_slice %arg2[%dma_wait3A_44] : memref<320000xi32, #tpu.memory_space<hbm>> -> memref<40xi32, #tpu.memory_space<hbm>>
    tpu.wait_dma2 semaphore(%arg24 : memref<!tpu.dma_semaphore, #tpu.memory_space<semaphore_mem>>) src(%dma_wait3A_45 : memref<40xi32, #tpu.memory_space<hbm>>) dst(%arg11 : memref<40xi32, #tpu.memory_space<vmem>>)
    %dma_wait3A_46 = arith.constant 0 : i32
    %dma_wait3A_47 = tpu.memref_slice %arg13[%dma_wait3A_46] : memref<56xi32, #tpu.memory_space<vmem>> -> memref<40xi32, #tpu.memory_space<vmem>>
    %dma_wait3A_48 = arith.constant 0 : i32
    %dma_wait3A_49 = tpu.memref_slice %arg3[%dma_wait3A_48] : memref<320000xi32, #tpu.memory_space<hbm>> -> memref<40xi32, #tpu.memory_space<hbm>>
    %dma_wait3A_50 = arith.constant 0 : i32
    %dma_wait3A_51 = tpu.memref_slice %arg13[%dma_wait3A_50] : memref<56xi32, #tpu.memory_space<vmem>> -> memref<40xi32, #tpu.memory_space<vmem>>
    %dma_wait3A_52 = arith.constant 0 : i32
    %dma_wait3A_53 = tpu.memref_slice %arg3[%dma_wait3A_52] : memref<320000xi32, #tpu.memory_space<hbm>> -> memref<40xi32, #tpu.memory_space<hbm>>
    tpu.wait_dma2 semaphore(%arg24 : memref<!tpu.dma_semaphore, #tpu.memory_space<semaphore_mem>>) src(%dma_wait3A_53 : memref<40xi32, #tpu.memory_space<hbm>>) dst(%dma_wait3A_51 : memref<40xi32, #tpu.memory_space<vmem>>)
    %dma_wait3A_54 = arith.constant 0 : i32
    %dma_wait3A_55 = arith.constant 0 : i32
    %dma_wait3A_56 = tpu.memref_slice %arg4[%dma_wait3A_54, %dma_wait3A_55] : memref<40000x16xi32, #tpu.memory_space<hbm>> -> memref<16x16xi32, #tpu.memory_space<hbm>>
    %dma_wait3A_57 = arith.constant 0 : i32
    %dma_wait3A_58 = arith.constant 0 : i32
    %dma_wait3A_59 = tpu.memref_slice %arg4[%dma_wait3A_57, %dma_wait3A_58] : memref<40000x16xi32, #tpu.memory_space<hbm>> -> memref<16x16xi32, #tpu.memory_space<hbm>>
    tpu.wait_dma2 semaphore(%arg24 : memref<!tpu.dma_semaphore, #tpu.memory_space<semaphore_mem>>) src(%dma_wait3A_59 : memref<16x16xi32, #tpu.memory_space<hbm>>) dst(%arg15 : memref<16x16xi32, #tpu.memory_space<vmem>>)
    %barrier3A_60 = arith.constant 0 : index
    tpu.barrier barrier_id(%barrier3A_60)
    %scan3A_61 = arith.constant 0 : i32
    %scan3A_62 = arith.constant 0 : i32
    %scan3A_63 = arith.constant 40 : i32
    %scan3A_64 = arith.addi %scan3A_62, %scan3A_63 : i32
    %scan3A_65 = arith.constant 1 : i32
    scf.for %scan3A_73 = %scan3A_62 to %scan3A_64 step %scan3A_65  : i32 {
      %mul3A_74 = arith.constant 640 : i32
      %mul3A_75 = arith.muli %arg1, %mul3A_74 : i32
      %mul3A_76 = arith.constant 16 : i32
      %mul3A_77 = arith.muli %scan3A_73, %mul3A_76 : i32
      %add3A_78 = arith.addi %mul3A_75, %mul3A_77 : i32
      "tpu.region"() ({
        %run_scoped3A = tpu.sem_alloc : memref<!tpu.dma_semaphore, #tpu.memory_space<semaphore_mem>>
        %dma_start3A_79 = arith.constant 0 : i32
        %dma_start3A_80 = tpu.memref_slice %arg9[%arg0, %add3A_78, %dma_start3A_79] : memref<2x10240x128xf32, #tpu.memory_space<hbm>> -> memref<1x16x128xf32, #tpu.memory_space<hbm>>
        %dma_start3A_81 = tpu.memref_squeeze %dma_start3A_80 : memref<1x16x128xf32, #tpu.memory_space<hbm>> -> memref<16x128xf32, #tpu.memory_space<hbm>>
        %dma_start3A_82 = arith.constant 0 : i32
        %dma_start3A_83 = tpu.memref_slice %arg23[%add3A_78, %dma_start3A_82] : memref<11520x128xf32, #tpu.memory_space<vmem_shared>> -> memref<16x128xf32, #tpu.memory_space<vmem_shared>>
        tpu.enqueue_dma source(%dma_start3A_83 : memref<16x128xf32, #tpu.memory_space<vmem_shared>>) target(%dma_start3A_81 : memref<16x128xf32, #tpu.memory_space<hbm>>) target_semaphore(%run_scoped3A : memref<!tpu.dma_semaphore, #tpu.memory_space<semaphore_mem>>)
        %dma_wait3A_84 = arith.constant 0 : i32
        %dma_wait3A_85 = tpu.memref_slice %arg9[%arg0, %add3A_78, %dma_wait3A_84] : memref<2x10240x128xf32, #tpu.memory_space<hbm>> -> memref<1x16x128xf32, #tpu.memory_space<hbm>>
        %dma_wait3A_86 = tpu.memref_squeeze %dma_wait3A_85 : memref<1x16x128xf32, #tpu.memory_space<hbm>> -> memref<16x128xf32, #tpu.memory_space<hbm>>
        %dma_wait3A_87 = arith.constant 0 : i32
        %dma_wait3A_88 = tpu.memref_slice %arg23[%add3A_78, %dma_wait3A_87] : memref<11520x128xf32, #tpu.memory_space<vmem_shared>> -> memref<16x128xf32, #tpu.memory_space<vmem_shared>>
        tpu.wait_dma2 semaphore(%run_scoped3A : memref<!tpu.dma_semaphore, #tpu.memory_space<semaphore_mem>>) src(%dma_wait3A_88 : memref<16x128xf32, #tpu.memory_space<vmem_shared>>) dst(%dma_wait3A_86 : memref<16x128xf32, #tpu.memory_space<hbm>>)
        tpu.yield
      }) : () -> ()
    }
    %scan3A_66 = arith.constant 40 : i32
    %scan3A_67 = arith.constant 0 : i32
    %scan3A_68 = arith.constant 0 : i32
    %scan3A_69 = arith.constant 5 : i32
    %scan3A_70 = arith.addi %scan3A_68, %scan3A_69 : i32
    %scan3A_71 = arith.constant 1 : i32
    scf.for %scan3A_73 = %scan3A_68 to %scan3A_70 step %scan3A_71  : i32 {
      %mul3A_74 = arith.constant 80 : i32
      %mul3A_75 = arith.muli %arg1, %mul3A_74 : i32
      %mul3A_76 = arith.constant 16 : i32
      %mul3A_77 = arith.muli %scan3A_73, %mul3A_76 : i32
      %add3A_78 = arith.addi %mul3A_75, %mul3A_77 : i32
      %add3A_79 = arith.constant 10240 : i32
      %add3A_80 = arith.addi %add3A_79, %add3A_78 : i32
      "tpu.region"() ({
        %run_scoped3A = tpu.sem_alloc : memref<!tpu.dma_semaphore, #tpu.memory_space<semaphore_mem>>
        %dma_start3A_81 = arith.constant 0 : i32
        %dma_start3A_82 = tpu.memref_slice %arg10[%arg0, %add3A_78, %dma_start3A_81] : memref<2x1280x128xf32, #tpu.memory_space<hbm>> -> memref<1x16x128xf32, #tpu.memory_space<hbm>>
        %dma_start3A_83 = tpu.memref_squeeze %dma_start3A_82 : memref<1x16x128xf32, #tpu.memory_space<hbm>> -> memref<16x128xf32, #tpu.memory_space<hbm>>
        %dma_start3A_84 = arith.constant 0 : i32
        %dma_start3A_85 = tpu.memref_slice %arg23[%add3A_80, %dma_start3A_84] : memref<11520x128xf32, #tpu.memory_space<vmem_shared>> -> memref<16x128xf32, #tpu.memory_space<vmem_shared>>
        tpu.enqueue_dma source(%dma_start3A_85 : memref<16x128xf32, #tpu.memory_space<vmem_shared>>) target(%dma_start3A_83 : memref<16x128xf32, #tpu.memory_space<hbm>>) target_semaphore(%run_scoped3A : memref<!tpu.dma_semaphore, #tpu.memory_space<semaphore_mem>>)
        %dma_wait3A_86 = arith.constant 0 : i32
        %dma_wait3A_87 = tpu.memref_slice %arg10[%arg0, %add3A_78, %dma_wait3A_86] : memref<2x1280x128xf32, #tpu.memory_space<hbm>> -> memref<1x16x128xf32, #tpu.memory_space<hbm>>
        %dma_wait3A_88 = tpu.memref_squeeze %dma_wait3A_87 : memref<1x16x128xf32, #tpu.memory_space<hbm>> -> memref<16x128xf32, #tpu.memory_space<hbm>>
        %dma_wait3A_89 = arith.constant 0 : i32
        %dma_wait3A_90 = tpu.memref_slice %arg23[%add3A_80, %dma_wait3A_89] : memref<11520x128xf32, #tpu.memory_space<vmem_shared>> -> memref<16x128xf32, #tpu.memory_space<vmem_shared>>
        tpu.wait_dma2 semaphore(%run_scoped3A : memref<!tpu.dma_semaphore, #tpu.memory_space<semaphore_mem>>) src(%dma_wait3A_90 : memref<16x128xf32, #tpu.memory_space<vmem_shared>>) dst(%dma_wait3A_88 : memref<16x128xf32, #tpu.memory_space<hbm>>)
        tpu.yield
      }) : () -> ()
    }
    %scan3A_72 = arith.constant 5 : i32
    return
  }
}

module attributes {stable_mosaic.version = 14 : i64} {
  func.func @_edge_proj_body(%arg0: i32, %arg1: memref<4000x128xf32, #tpu.memory_space<vmem>>, %arg2: memref<128x128xf32, #tpu.memory_space<vmem>>, %arg3: memref<4000x128xf32, #tpu.memory_space<vmem>>) attributes {dimension_semantics = [#tpu.dimension_semantics<arbitrary>], iteration_bounds = array<i64: 80>, scalar_prefetch = 0 : i64, scratch_operands = 0 : i64, tpu.core_type = #tpu.core_type<tc>, window_params = [{transform_indices = @transform_0, window_bounds = array<i64: 4000, 128>}, {pipeline_mode = #tpu.pipeline_mode<synchronous>, transform_indices = @transform_1, window_bounds = array<i64: 128, 128>}, {transform_indices = @transform_2, window_bounds = array<i64: 4000, 128>}]} {
    %get3A = arith.constant 0 : index
    %get3A_0 = arith.constant 0 : index
    %get3A_1 = vector.load %arg1[%get3A, %get3A_0] : memref<4000x128xf32, #tpu.memory_space<vmem>>, vector<4000x128xf32>
    %get3A_2 = arith.constant 0 : index
    %get3A_3 = arith.constant 0 : index
    %get3A_4 = vector.load %arg2[%get3A_2, %get3A_3] : memref<128x128xf32, #tpu.memory_space<vmem>>, vector<128x128xf32>
    %dot_general3A = arith.constant dense<0.000000e+00> : vector<4000x128xf32>
    %dot_general3A_5 = tpu.matmul %get3A_1, %get3A_4, %dot_general3A {dimension_numbers = #tpu.dot_dimension_numbers<[1], [0], [0], [1], [0, 0, 1, 1], [], []>, transpose_lhs_hint = false} : vector<4000x128xf32>, vector<128x128xf32>, vector<4000x128xf32> -> vector<4000x128xf32>
    %swap3A = arith.constant 0 : index
    %swap3A_6 = arith.constant 0 : index
    %swap3A_7 = vector.load %arg3[%swap3A, %swap3A_6] : memref<4000x128xf32, #tpu.memory_space<vmem>>, vector<4000x128xf32>
    tpu.vector_store %arg3[%swap3A, %swap3A_6], %dot_general3A_5 {strides = array<i32>} : memref<4000x128xf32, #tpu.memory_space<vmem>>, vector<4000x128xf32>,
    return
  }
  func.func @transform_0(%arg0: i32) -> (i32, i32) {
    %c0_i32 = arith.constant 0 : i32
    %c0_i32_0 = arith.constant 0 : i32
    return %arg0, %c0_i32 : i32, i32
  }
  func.func @transform_1(%arg0: i32) -> (i32, i32) {
    %c0_i32 = arith.constant 0 : i32
    %c0_i32_0 = arith.constant 0 : i32
    %c0_i32_1 = arith.constant 0 : i32
    return %c0_i32, %c0_i32_0 : i32, i32
  }
  func.func @transform_2(%arg0: i32) -> (i32, i32) {
    %c0_i32 = arith.constant 0 : i32
    %c0_i32_0 = arith.constant 0 : i32
    return %arg0, %c0_i32 : i32, i32
  }
}

module attributes {stable_mosaic.version = 14 : i64} {
  func.func @_qkv_body(%arg0: i32, %arg1: memref<1000x128xf32, #tpu.memory_space<vmem>>, %arg2: memref<128x384xf32, #tpu.memory_space<vmem>>, %arg3: memref<384x384xf32, #tpu.memory_space<vmem>>, %arg4: memref<2x384xf32, #tpu.memory_space<vmem>>, %arg5: memref<1000x128xf32, #tpu.memory_space<vmem>>, %arg6: memref<1000x256xf32, #tpu.memory_space<vmem>>) attributes {dimension_semantics = [#tpu.dimension_semantics<arbitrary>], iteration_bounds = array<i64: 10>, scalar_prefetch = 0 : i64, scratch_operands = 0 : i64, tpu.core_type = #tpu.core_type<tc>, window_params = [{transform_indices = @transform_0, window_bounds = array<i64: 1000, 128>}, {pipeline_mode = #tpu.pipeline_mode<synchronous>, transform_indices = @transform_1, window_bounds = array<i64: 128, 384>}, {pipeline_mode = #tpu.pipeline_mode<synchronous>, transform_indices = @transform_2, window_bounds = array<i64: 384, 384>}, {pipeline_mode = #tpu.pipeline_mode<synchronous>, transform_indices = @transform_3, window_bounds = array<i64: 2, 384>}, {transform_indices = @transform_4, window_bounds = array<i64: 1000, 128>}, {transform_indices = @transform_5, window_bounds = array<i64: 1000, 256>}]} {
    %get3A = arith.constant 0 : index
    %get3A_0 = arith.constant 0 : index
    %get3A_1 = vector.load %arg1[%get3A, %get3A_0] : memref<1000x128xf32, #tpu.memory_space<vmem>>, vector<1000x128xf32>
    %get3A_2 = arith.constant 0 : index
    %get3A_3 = arith.constant 0 : index
    %get3A_4 = vector.load %arg2[%get3A_2, %get3A_3] : memref<128x384xf32, #tpu.memory_space<vmem>>, vector<128x384xf32>
    %dot_general3A = arith.constant dense<0.000000e+00> : vector<1000x384xf32>
    %dot_general3A_5 = tpu.matmul %get3A_1, %get3A_4, %dot_general3A {dimension_numbers = #tpu.dot_dimension_numbers<[1], [0], [0], [1], [0, 0, 1, 1], [], []>, transpose_lhs_hint = false} : vector<1000x128xf32>, vector<128x384xf32>, vector<1000x384xf32> -> vector<1000x384xf32>
    %mul3A = arith.mulf %dot_general3A_5, %dot_general3A_5 : vector<1000x384xf32>
    %get3A_6 = arith.constant 0 : index
    %get3A_7 = arith.constant 0 : index
    %get3A_8 = vector.load %arg3[%get3A_6, %get3A_7] : memref<384x384xf32, #tpu.memory_space<vmem>>, vector<384x384xf32>
    %dot_general3A_9 = arith.constant dense<0.000000e+00> : vector<1000x384xf32>
    %dot_general3A_10 = tpu.matmul %mul3A, %get3A_8, %dot_general3A_9 {dimension_numbers = #tpu.dot_dimension_numbers<[1], [0], [0], [1], [0, 0, 1, 1], [], []>, transpose_lhs_hint = false} : vector<1000x384xf32>, vector<384x384xf32>, vector<1000x384xf32> -> vector<1000x384xf32>
    %get3A_11 = arith.constant 0 : index
    %get3A_12 = arith.constant 0 : index
    %get3A_13 = vector.load %arg4[%get3A_11, %get3A_12] : memref<2x384xf32, #tpu.memory_space<vmem>>, vector<1x384xf32>
    %get3A_14 = vector.shape_cast %get3A_13 : vector<1x384xf32> to vector<384xf32>
    %broadcast_in_dim3A = vector.shape_cast %get3A_14 : vector<384xf32> to vector<1x384xf32>
    %add3A = vector.broadcast %broadcast_in_dim3A : vector<1x384xf32> to vector<1000x384xf32>
    %add3A_15 = arith.addf %dot_general3A_10, %add3A : vector<1000x384xf32>
    %rsqrt3A = math.rsqrt %add3A_15 : vector<1000x384xf32>
    %mul3A_16 = arith.mulf %dot_general3A_5, %rsqrt3A : vector<1000x384xf32>
    %get3A_17 = arith.constant 1 : index
    %get3A_18 = arith.constant 0 : index
    %get3A_19 = vector.load %arg4[%get3A_17, %get3A_18] : memref<2x384xf32, #tpu.memory_space<vmem>>, vector<1x384xf32>
    %get3A_20 = vector.shape_cast %get3A_19 : vector<1x384xf32> to vector<384xf32>
    %broadcast_in_dim3A_21 = vector.shape_cast %get3A_20 : vector<384xf32> to vector<1x384xf32>
    %mul3A_22 = vector.broadcast %broadcast_in_dim3A_21 : vector<1x384xf32> to vector<1000x384xf32>
    %mul3A_23 = arith.mulf %mul3A_16, %mul3A_22 : vector<1000x384xf32>
    %slice3A = vector.extract_strided_slice %mul3A_23 {offsets = [0, 0], sizes = [1000, 128], strides = [1, 1]} : vector<1000x384xf32> to vector<1000x128xf32>
    %swap3A = arith.constant 0 : index
    %swap3A_24 = arith.constant 0 : index
    %swap3A_25 = vector.load %arg5[%swap3A, %swap3A_24] : memref<1000x128xf32, #tpu.memory_space<vmem>>, vector<1000x128xf32>
    tpu.vector_store %arg5[%swap3A, %swap3A_24], %slice3A {strides = array<i32>} : memref<1000x128xf32, #tpu.memory_space<vmem>>, vector<1000x128xf32>,
    %slice3A_26 = vector.extract_strided_slice %mul3A_23 {offsets = [0, 128], sizes = [1000, 256], strides = [1, 1]} : vector<1000x384xf32> to vector<1000x256xf32>
    %swap3A_27 = arith.constant 0 : index
    %swap3A_28 = arith.constant 0 : index
    %swap3A_29 = vector.load %arg6[%swap3A_27, %swap3A_28] : memref<1000x256xf32, #tpu.memory_space<vmem>>, vector<1000x256xf32>
    tpu.vector_store %arg6[%swap3A_27, %swap3A_28], %slice3A_26 {strides = array<i32>} : memref<1000x256xf32, #tpu.memory_space<vmem>>, vector<1000x256xf32>,
    return
  }
  func.func @transform_0(%arg0: i32) -> (i32, i32) {
    %c0_i32 = arith.constant 0 : i32
    %c0_i32_0 = arith.constant 0 : i32
    return %arg0, %c0_i32 : i32, i32
  }
  func.func @transform_1(%arg0: i32) -> (i32, i32) {
    %c0_i32 = arith.constant 0 : i32
    %c0_i32_0 = arith.constant 0 : i32
    %c0_i32_1 = arith.constant 0 : i32
    return %c0_i32, %c0_i32_0 : i32, i32
  }
  func.func @transform_2(%arg0: i32) -> (i32, i32) {
    %c0_i32 = arith.constant 0 : i32
    %c0_i32_0 = arith.constant 0 : i32
    %c0_i32_1 = arith.constant 0 : i32
    return %c0_i32, %c0_i32_0 : i32, i32
  }
  func.func @transform_3(%arg0: i32) -> (i32, i32) {
    %c0_i32 = arith.constant 0 : i32
    %c0_i32_0 = arith.constant 0 : i32
    %c0_i32_1 = arith.constant 0 : i32
    return %c0_i32, %c0_i32_0 : i32, i32
  }
  func.func @transform_4(%arg0: i32) -> (i32, i32) {
    %c0_i32 = arith.constant 0 : i32
    %c0_i32_0 = arith.constant 0 : i32
    return %arg0, %c0_i32 : i32, i32
  }
  func.func @transform_5(%arg0: i32) -> (i32, i32) {
    %c0_i32 = arith.constant 0 : i32
    %c0_i32_0 = arith.constant 0 : i32
    return %arg0, %c0_i32 : i32, i32
  }
}

module attributes {stable_mosaic.version = 14 : i64} {
  func.func @_out_body(%arg0: i32, %arg1: memref<2x640x128xf32, #tpu.memory_space<vmem>>, %arg2: memref<2x640x16xf32, #tpu.memory_space<vmem>>, %arg3: memref<16x128xf32, #tpu.memory_space<vmem>>, %arg4: memref<128x128xf32, #tpu.memory_space<vmem>>, %arg5: memref<640x128xf32, #tpu.memory_space<vmem>>) attributes {dimension_semantics = [#tpu.dimension_semantics<arbitrary>], iteration_bounds = array<i64: 16>, scalar_prefetch = 0 : i64, scratch_operands = 0 : i64, tpu.core_type = #tpu.core_type<tc>, window_params = [{transform_indices = @transform_0, window_bounds = array<i64: 2, 640, 128>}, {transform_indices = @transform_1, window_bounds = array<i64: 2, 640, 16>}, {pipeline_mode = #tpu.pipeline_mode<synchronous>, transform_indices = @transform_2, window_bounds = array<i64: 16, 128>}, {pipeline_mode = #tpu.pipeline_mode<synchronous>, transform_indices = @transform_3, window_bounds = array<i64: 128, 128>}, {transform_indices = @transform_4, window_bounds = array<i64: 640, 128>}]} {
    %get3A = arith.constant 0 : index
    %get3A_0 = arith.constant 0 : index
    %get3A_1 = arith.constant 0 : index
    %get3A_2 = vector.load %arg1[%get3A, %get3A_0, %get3A_1] : memref<2x640x128xf32, #tpu.memory_space<vmem>>, vector<1x640x128xf32>
    %get3A_3 = vector.shape_cast %get3A_2 : vector<1x640x128xf32> to vector<640x128xf32>
    %get3A_4 = arith.constant 1 : index
    %get3A_5 = arith.constant 0 : index
    %get3A_6 = arith.constant 0 : index
    %get3A_7 = vector.load %arg1[%get3A_4, %get3A_5, %get3A_6] : memref<2x640x128xf32, #tpu.memory_space<vmem>>, vector<1x640x128xf32>
    %get3A_8 = vector.shape_cast %get3A_7 : vector<1x640x128xf32> to vector<640x128xf32>
    %add3A = arith.addf %get3A_3, %get3A_8 : vector<640x128xf32>
    %get3A_9 = arith.constant 0 : index
    %get3A_10 = arith.constant 0 : index
    %get3A_11 = arith.constant 0 : index
    %get3A_12 = vector.load %arg2[%get3A_9, %get3A_10, %get3A_11] : memref<2x640x16xf32, #tpu.memory_space<vmem>>, vector<1x640x16xf32>
    %get3A_13 = vector.shape_cast %get3A_12 : vector<1x640x16xf32> to vector<640x16xf32>
    %get3A_14 = arith.constant 1 : index
    %get3A_15 = arith.constant 0 : index
    %get3A_16 = arith.constant 0 : index
    %get3A_17 = vector.load %arg2[%get3A_14, %get3A_15, %get3A_16] : memref<2x640x16xf32, #tpu.memory_space<vmem>>, vector<1x640x16xf32>
    %get3A_18 = vector.shape_cast %get3A_17 : vector<1x640x16xf32> to vector<640x16xf32>
    %add3A_19 = arith.addf %get3A_13, %get3A_18 : vector<640x16xf32>
    %get3A_20 = arith.constant 0 : index
    %get3A_21 = arith.constant 0 : index
    %get3A_22 = vector.load %arg3[%get3A_20, %get3A_21] : memref<16x128xf32, #tpu.memory_space<vmem>>, vector<16x128xf32>
    %dot_general3A = arith.constant dense<0.000000e+00> : vector<640x128xf32>
    %dot_general3A_23 = tpu.matmul %add3A_19, %get3A_22, %dot_general3A {dimension_numbers = #tpu.dot_dimension_numbers<[1], [0], [0], [1], [0, 0, 1, 1], [], []>, transpose_lhs_hint = false} : vector<640x16xf32>, vector<16x128xf32>, vector<640x128xf32> -> vector<640x128xf32>
    %gt3A = arith.constant 0.000000e+00 : f32
    %gt3A_24 = vector.broadcast %gt3A : f32 to vector<640x128xf32>
    %gt3A_25 = arith.cmpf ogt, %dot_general3A_23, %gt3A_24 : vector<640x128xf32>
    %jit3A = arith.constant 1.000000e+00 : f32
    %broadcast_in_dim3A = vector.broadcast %jit3A : f32 to vector<640x128xf32>
    %select_n3A = arith.select %gt3A_25, %dot_general3A_23, %broadcast_in_dim3A : vector<640x128xi1>, vector<640x128xf32>
    %div3A = arith.divf %add3A, %select_n3A : vector<640x128xf32>
    %get3A_26 = arith.constant 0 : index
    %get3A_27 = arith.constant 0 : index
    %get3A_28 = vector.load %arg4[%get3A_26, %get3A_27] : memref<128x128xf32, #tpu.memory_space<vmem>>, vector<128x128xf32>
    %dot_general3A_29 = arith.constant dense<0.000000e+00> : vector<640x128xf32>
    %dot_general3A_30 = tpu.matmul %div3A, %get3A_28, %dot_general3A_29 {dimension_numbers = #tpu.dot_dimension_numbers<[1], [0], [0], [1], [0, 0, 1, 1], [], []>, transpose_lhs_hint = false} : vector<640x128xf32>, vector<128x128xf32>, vector<640x128xf32> -> vector<640x128xf32>
    %swap3A = arith.constant 0 : index
    %swap3A_31 = arith.constant 0 : index
    %swap3A_32 = vector.load %arg5[%swap3A, %swap3A_31] : memref<640x128xf32, #tpu.memory_space<vmem>>, vector<640x128xf32>
    tpu.vector_store %arg5[%swap3A, %swap3A_31], %dot_general3A_30 {strides = array<i32>} : memref<640x128xf32, #tpu.memory_space<vmem>>, vector<640x128xf32>,
    return
  }
  func.func @transform_0(%arg0: i32) -> (i32, i32, i32) {
    %c0_i32 = arith.constant 0 : i32
    %c0_i32_0 = arith.constant 0 : i32
    %c0_i32_1 = arith.constant 0 : i32
    return %c0_i32, %arg0, %c0_i32_0 : i32, i32, i32
  }
  func.func @transform_1(%arg0: i32) -> (i32, i32, i32) {
    %c0_i32 = arith.constant 0 : i32
    %c0_i32_0 = arith.constant 0 : i32
    %c0_i32_1 = arith.constant 0 : i32
    return %c0_i32, %arg0, %c0_i32_0 : i32, i32, i32
  }
  func.func @transform_2(%arg0: i32) -> (i32, i32) {
    %c0_i32 = arith.constant 0 : i32
    %c0_i32_0 = arith.constant 0 : i32
    %c0_i32_1 = arith.constant 0 : i32
    return %c0_i32, %c0_i32_0 : i32, i32
  }
  func.func @transform_3(%arg0: i32) -> (i32, i32) {
    %c0_i32 = arith.constant 0 : i32
    %c0_i32_0 = arith.constant 0 : i32
    %c0_i32_1 = arith.constant 0 : i32
    return %c0_i32, %c0_i32_0 : i32, i32
  }
  func.func @transform_4(%arg0: i32) -> (i32, i32) {
    %c0_i32 = arith.constant 0 : i32
    %c0_i32_0 = arith.constant 0 : i32
    return %arg0, %c0_i32 : i32, i32
  }
}

</mosaic_0001>

<sc_bundles>
// kernel: kernel.6.cloned.1.call-start
scs
__scs_entry_jumppad:
0x0: {  	(pc) =	sbr.rel $0x88, $3  }
0x1: {  	(tag) =	ssettag $0x0;
	lr =	simm.s32 $0x1  }
0x2: {  	[smem:$0x3F97] =	sst lr;
	_ =	strace $0xD0000000  }
0x3: {  	_ = 	snop  }
0x4: {  	_ = 	snop  }
0x5: {  	_ = 	snop  }
0x6: {  	_ = 	snop  }
0x7: {  	_ = 	snop  }
__scs_overlays_trampoline_lowered:
0x8: {  	[smem:$0x3FA6] =	sst s0  }
0x9: {  	[smem:$0x3FA7] =	sst s1  }
0xa: {  	[smem:$0x3FA8] =	sst s2  }
0xb: {  	[smem:$0x3FA9] =	sst s3  }
0xc: {  	[smem:$0x3FAA] =	sst s4  }
0xd: {  	[smem:$0x3FAB] =	sst s5  }
0xe: {  	[smem:$0x3FAC] =	sst s6  }
0xf: {  	[smem:$0x3FAD] =	sst s7  }
0x10: {  	[smem:$0x3FAE] =	sst s8  }
0x11: {  	[smem:$0x3FAF] =	sst s9;
	s0 =	simm.s32 @!p0 $0x0  }
0x12: {  	s1 =	sld [smem:$0x3F95];
	s0 =	simm.s32 @p0 $0x1  }
0x13: {  	[smem:$0x3FB0] =	sst s0;
	s0 =	simm.s32 @!p1 $0x0  }
0x14: {  	s2 =	sld [smem:$0x3F94];
	s0 =	simm.s32 @p1 $0x1  }
0x15: {  	[smem:$0x3FB1] =	sst s0;
	s0 =	simm.s32 @!p2 $0x0  }
0x16: {  	s3 =	sld [smem:$0x3FDB];
	s0 =	simm.s32 @p2 $0x1  }
0x17: {  	s4 =	simm.s32 $0x1BF5;
	[smem:$0x3FB3] =	sst s0  }
0x18: {  	s0 =	sld [smem:$0x3F96];
	_ =	swait.ge [sflag:s4], $0x0  }
0x19: {  	s7 =	sld [smem:$0x3F97]  }
0x1a: {  	s8 =	sadd.s32 $0xFFFFE003, lr  }
0x1b: {  	s9 =	sadd.s32 $0xFFFFFEF7, lr;
	s5 =	simm.s32 $0xFFFFFFFF;
	p2 =	slt.u32 s8, $0xFFFFF086  }
0x1c: {  	p1 =	slt.u32 s9, $0xF7A;
	s5 =	simm.s32 @!p2 $0x0  }
0x1d: {  	s5 =	simm.s32 @p1 $0x1;
	p0 =	seq.s32 s7, s2  }
0x1e: {  	s7 =	smul.u32 @!p0 $0xF7A, s2;
	p2 =	seq.s32 @!p0 s5, $0x0  }
0x1f: {  	s9 =	smul.u32 $0xF7A, s1;
	s8 =	simm.s32 @!p0 $0x1BF5;
	p2 =	por !p2, p0  }
0x20: {  	[sflag:s8] =	ssyncset.s32 @!p0 $0xFFFFF086;
	s6 =	sadd.s32 @!p0 s3, s7;
	s7 =	simm.s32 @!p0 $0x108  }
0x21: {  	s3 =	sadd.s32 s3, s9;
	s6 =	sadd.s32 @!p0 $0x88, s6;
	s7 =	simm.s32 @p2 $0x1082  }
0x22: {  	[simem:s7], [sflag:s8] =	dma.local @!p0 [hbm:s6], $0xF7A  }
0x23: {  	s9 =	sor.u32 $0xD0000000, s2;
	s6 =	simm.s32 $0x108;
	_ =	swait.ge @!p0 [sflag:s8], $0x0  }
0x24: {  	s3 =	sadd.s32 $0x88, s3;
	s6 =	simm.s32 @!p1 $0x1082;
	[sflag:s4] =	ssyncset.s32 $0xFFFFF086  }
0x25: {  	[simem:s6], [sflag:s4] =	dma.local [hbm:s3], $0xF7A  }
0x26: {  	[smem:$0x3F97] =	sst s1;
	(tag) =	ssettag s2;
	_ =	strace s9  }
0x27: {  	s1 =	sld [smem:$0x3FA7]  }
0x28: {  	s2 =	sld [smem:$0x3FA8]  }
0x29: {  	s4 =	sld [smem:$0x3FAA]  }
0x2a: {  	p0 =	seq.s32 s5, $0x0;
	s5 =	sld [smem:$0x3FAB]  }
0x2b: {  	s6 =	sld [smem:$0x3FAC]  }
0x2c: {  	s7 =	sld [smem:$0x3FAD]  }
0x2d: {  	s3 =	simm.s32 $0x108;
	s8 =	sld [smem:$0x3FAE]  }
0x2e: {  	s3 =	simm.s32 @!p0 $0x1082;
	s9 =	sld [smem:$0x3FAF]  }
0x2f: {  	lr =	sadd.s32 s0, s3;
	s0 =	sld [smem:$0x3FA6]  }
0x30: {  	s3 =	sld [smem:$0x3FA9]  }
0x31: {  	[smem:$0x3FB2] =	sst s10  }
0x32: {  	s10 =	sld [smem:$0x3FB0];
	_ =	sdelay $0x3  }
0x33: {  	p0 =	seq.s32 s10, $0x1;
	s10 =	sld [smem:$0x3FB2];
	_ =	sdelay $0x3  }
0x34: {  	[smem:$0x3FB2] =	sst s10  }
0x35: {  	s10 =	sld [smem:$0x3FB1];
	_ =	sdelay $0x3  }
0x36: {  	p1 =	seq.s32 s10, $0x1;
	s10 =	sld [smem:$0x3FB2];
	_ =	sdelay $0x3  }
0x37: {  	[smem:$0x3FB2] =	sst s10  }
0x38: {  	s10 =	sld [smem:$0x3FB3]  }
0x39: {  	_ = 	snop;
	(pc) =	sbr.ind lr, $3  }
0x3a: {  	_ = 	snop  }
0x3b: {  	_ = 	snop  }
0x3c: {  	p2 =	seq.s32 s10, $0x1;
	s10 =	sld [smem:$0x3FB2]  }
0x3d: {  	_ =	shalt  }
0x3e: {  	_ =	shalt  }
0x3f: {  	_ =	shalt  }
0x40: {  	_ =	shalt  }
0x41: {  	_ =	shalt  }
0x42: {  	_ =	shalt  }
0x43: {  	_ =	shalt  }
0x44: {  	_ =	shalt  }
0x45: {  	_ =	shalt  }
0x46: {  	_ =	shalt  }
0x47: {  	_ =	shalt  }
0x48: {  	_ =	shalt  }
0x49: {  	_ =	shalt  }
0x4a: {  	_ =	shalt  }
0x4b: {  	_ =	shalt  }
0x4c: {  	_ =	shalt  }
0x4d: {  	_ =	shalt  }
0x4e: {  	_ =	shalt  }
0x4f: {  	_ =	shalt  }
0x50: {  	_ =	shalt  }
0x51: {  	_ =	shalt  }
0x52: {  	_ =	shalt  }
0x53: {  	_ =	shalt  }
0x54: {  	_ =	shalt  }
0x55: {  	_ =	shalt  }
0x56: {  	_ =	shalt  }
0x57: {  	_ =	shalt  }
0x58: {  	_ =	shalt  }
0x59: {  	_ =	shalt  }
0x5a: {  	_ =	shalt  }
0x5b: {  	_ =	shalt  }
0x5c: {  	_ =	shalt  }
0x5d: {  	_ =	shalt  }
0x5e: {  	_ =	shalt  }
0x5f: {  	_ =	shalt  }
0x60: {  	_ =	shalt  }
0x61: {  	_ =	shalt  }
0x62: {  	_ =	shalt  }
0x63: {  	_ =	shalt  }
0x64: {  	_ =	shalt  }
0x65: {  	_ =	shalt  }
0x66: {  	_ =	shalt  }
0x67: {  	_ =	shalt  }
0x68: {  	_ =	shalt  }
0x69: {  	_ =	shalt  }
0x6a: {  	_ =	shalt  }
0x6b: {  	_ =	shalt  }
0x6c: {  	_ =	shalt  }
0x6d: {  	_ =	shalt  }
0x6e: {  	_ =	shalt  }
0x6f: {  	_ =	shalt  }
0x70: {  	_ =	shalt  }
0x71: {  	_ =	shalt  }
0x72: {  	_ =	shalt  }
0x73: {  	_ =	shalt  }
0x74: {  	_ =	shalt  }
0x75: {  	_ =	shalt  }
0x76: {  	_ =	shalt  }
0x77: {  	_ =	shalt  }
0x78: {  	_ =	shalt  }
0x79: {  	_ =	shalt  }
0x7a: {  	_ =	shalt  }
0x7b: {  	_ =	shalt  }
0x7c: {  	_ =	shalt  }
0x7d: {  	_ =	shalt  }
0x7e: {  	_ =	shalt  }
0x7f: {  	_ =	shalt  }
0x80: {  	_ =	shalt  }
0x81: {  	_ =	shalt  }
0x82: {  	_ =	shalt  }
0x83: {  	_ =	shalt  }
0x84: {  	_ =	shalt  }
0x85: {  	_ =	shalt  }
0x86: {  	_ =	shalt  }
0x87: {  	_ =	shalt  }
.Lfunc_end0:
.L_simem_size_0:
called_computation_lowered:
.L_overlay_start_0:
0x88: {  	s2 =	sld [smem:$0x3FD9]  }
0x89: {  	s3 =	sld [smem:$0x3FFE];
	_ =	sdelay $0x1  }
0x8a: {  	s1 =	srdreg.scid  }
0x8b: {  	s0 =	sand.u32 $0x1, s1  }
0x8c: {  	s17 =	sshll.u32 s0, $0xA;
	s2 =	sadd.s32 s3, s2  }
0x8d: {  	s2 =	sadd.s32 s2, s17  }
0x8e: {  	[smem:$0x3FBE] =	sst s2  }
0x8f: {  	_ = 	snop  }
0x90: {  	s2 =	sld [smem:$0x3FD0];
	(tm) =	ssettm $0x1  }
0x91: {  	s18 =	sld [smem:$0x3FFB];
	_ =	sdelay $0x3  }
0x92: {  	_ =	strace s18  }
0x93: {  	s3 =	sld [smem:$0x3FFC];
	_ =	sdelay $0x3  }
0x94: {  	_ =	strace s3  }
0x95: {  	s3 =	sld [smem:$0x3FFD];
	_ =	sdelay $0x3  }
0x96: {  	_ =	strace s3  }
0x97: {  	_ =	strace $0x8FFFFFFF  }
0x98: {  	s19 =	sld [smem:$0x3FDB];
	_ =	sdelay $0x1  }
0x99: {  	s4 =	simm.s32 $_scs_section_size  }
0x9a: {  	s5 =	simm.s32 $_size__tile_overlayer_lowered;
	s6 =	simm.s32 $_tile_overlayer_lowered  }
0x9b: {  	s22 =	simm.s32 $0x1BFF;
	s21 =	sshll.u32 s6, $0x1;
	s3 =	sadd.s32 s4, s19  }
0x9c: {  	s7 =	simm.s32 $0x0;
	s20 =	sshll.u32 s5, $0x1;
	s5 =	sadd.s32 s21, s3  }
0x9d: {  	[timem:s7], [sflag:s22] =	dma.local [hbm:s5], s20  }
0x9e: {  	_ =	swait.ge [sflag:s22], s20  }
0x9f: {  	s4 =	ssub.s32 $0x0, s20;
	[sflag:s22] =	ssyncset.done $0x0  }
0xa0: {  	[sflag:s22] =	ssyncadd.s32 s4;
	_ =	sdelay $0x1  }
0xa1: {  	s23 =	simm.s32 $0x1B8B  }
0xa2: {  	_ =	swait.ge [sflag:s23], $0x1  }
0xa3: {  	[sflag:s23] =	ssyncset.done $0x0  }
0xa4: {  	s25 =	simm.s32 $0x1B8E;
	s24 =	sld [smem:$0x3FFE];
	[sflag:s23] =	ssyncadd.s32 $0xFFFFFFFF  }
0xa5: {  	s26 =	simm.s32 $execute0_lowered;
	[smem:$0x3FD2] =	sst s25  }
0xa6: {  	s5 =	sshll.u32 s26, $0x1;
	_ =	strace $0x80000046;
	[dreg:$0x1] =	wrdreg $0xFFFFFFFF  }
0xa7: {  	s28 =	simm.s32 $_size_execute0_lowered;
	s3 =	sadd.s32 s3, s5;
	[dreg:$0x0] =	wrdreg $0x0  }
0xa8: {  	s5 =	sshll.u32 s28, $0x1;
	[dreg:$0x2] =	wrdreg s3  }
0xa9: {  	[dreg:$0x3] =	wrdreg s5  }
0xaa: {  	[dreg:$0x4] =	wrdreg $0xC0  }
0xab: {  	_ =	task [dreg:s7], $0x5FFFF  }
0xac: {  	[dreg:$0x1] =	wrdreg $0xFFFFFFFF  }
0xad: {  	[dreg:$0x0] =	wrdreg $0x60  }
0xae: {  	[dreg:$0x2] =	wrdreg s24  }
0xaf: {  	[dreg:$0x3] =	wrdreg s2  }
0xb0: {  	[dreg:$0x4] =	wrdreg $0x92800  }
0xb1: {  	[dreg:$0x5] =	wrdreg $0x9  }
0xb2: {  	_ =	task.clear_ibuf [dreg:s7], $0x6FFFF;
	_ =	strace $0x90000046  }
0xb3: {  	s29 =	simm.s32 $0x9;
	_ =	strace $0x80000048  }
0xb4: {  	_ =	swait.ge [sflag:s29], $0x1  }
0xb5: {  	[sflag:s29] =	ssyncadd.s32 $0xFFFFFFFF  }
0xb6: {  	_ =	strace $0x90000048  }
0xb7: {  	_ =	sfence  }
0xb8: {  	s30 =	sld [smem:$0x0];
	_ =	sdelay $0x2  }
0xb9: {  	s31 =	sshll.u32 s1, $0xD;
	s1 =	sshrl.u32 s1, $0x2  }
0xba: {  	s3 =	sand.u32 $0x4000, s31;
	s1 =	sadd.s32 s1, s30  }
0xbb: {  	s0 =	sor.u32 s3, s0;
	s1 =	sshll.u32 s1, $0x11  }
0xbc: {  	s0 =	sor.u32 s1, s0  }
0xbd: {  	s0 =	sadd.s32 $0x8F2B, s0  }
0xbe: {  	[sflag:s0] =	ssyncadd.remote.s32 $0x1  }
0xbf: {  	_ =	sfence.sel $0xFFFF  }
0xc0: {  	[dreg:$0x0] =	wrdreg $0xFFFFFFFF;
	(pc) =	sbr.abs _section_cstart, $3  }
0xc1: {  	[dreg:$0x1] =	wrdreg $0xFFFFFFFF  }
0xc2: {  	_ =	task.clear_ibuf [dreg:s7], $0x2FFFF;
	_ =	strace $0x9FFFFFFF  }
0xc3: {  	(tm) =	ssettm $0x7FFFFFFF  }
tec
execute0_lowered:
.L_overlay_start_1:
0x0: {  	(tag) =	ssettag $0x1  }
0x1: {  	s0 =	rddreg [dreg:$0x0]  }
0x2: {  	s18 =	rddreg [dreg:$0x1]  }
0x3: {  	s3 =	rddreg [dreg:$0x2]  }
0x4: {  	s4 =	simm.s32 $0x0;
	s16 =	stileid.u32;
	s1 =	srdreg.scid  }
0x5: {  	s31 =	simm.s32 $0x1200;
	[smem:$0x7FF] =	sst s4;
	s2 =	smul.u32 $0x5A, s16  }
0x6: {  	s1 =	sand.u32 $0x1, s1;
	s19 =	sadd.s32 $0x2200, s0;
	s6 =	smul.u32 $0x14000, s16  }
0x7: {  	s7 =	sshll.u32 s16, $0x1;
	s20 =	sadd.s32 $0xC000, s0;
	s22 =	smul.u32 $0x2800, s16  }
0x8: {  	s21 =	sadd.s32 $0xB2200, s0;
	s10 =	sadd.s32 $0x64600, s0;
	s30 =	smul.u32 $0xA000, s16  }
0x9: {  	_ =	strace $0x80000047;
	s5 =	smul.u32 $0x140000, s1;
	[dreg:$0x4] =	wrdreg s19  }
0xa: {  	s23 =	sor.u32 s1, s7;
	s17 =	ssub.s32 $0x2, s1;
	[dreg:$0x5] =	wrdreg s20  }
0xb: {  	s1 =	smul.u32 $0x28000, s1;
	[dreg:$0x6] =	wrdreg s21;
	s2 =	sadd.s32 s2, s0  }
0xc: {  	s9 =	smul.u32 $0x2710, s23;
	s8 =	sshrl.u32 s17, $0x1;
	s24 =	sadd.s32 $0x800, s22  }
0xd: {  	s14 =	smul.u32 $0x4E20, s23;
	s26 =	sadd.s32 $0x1000, s22;
	s7 =	sadd.s32 $0x2000, s22  }
0xe: {  	[dreg:$0x7] =	wrdreg s23;
	s5 =	sadd.s32 s6, s5;
	s6 =	ssub.s32 s17, s8  }
0xf: {  	s12 =	sadd.s32 s1, s22;
	s13 =	sadd.s32 s1, s24;
	s28 =	sadd.s32 s1, s26  }
0x10: {  	s17 =	sadd.s32 $0x1800, s22;
	s22 =	smul.u32 $0x50000, s16;
	s5 =	sshrl.u32 s5, $0x3  }
0x11: {  	s11 =	sshrl.u32 s9, $0x3;
	s12 =	sshrl.u32 s12, $0x3;
	s13 =	sshrl.u32 s13, $0x3  }
0x12: {  	s15 =	sadd.s32 s1, s17;
	s1 =	sadd.s32 s1, s7;
	s6 =	smax.u32 s6, $0x1  }
0x13: {  	s7 =	sadd.s32 s7, s3;
	s5 =	sadd.s32 s5, s0;
	s12 =	sadd.s32 s10, s12  }
0x14: {  	s25 =	sadd.s32 s10, s13;
	s13 =	sshrl.u32 s28, $0x3;
	[dreg:$0x11] =	wrdreg s6  }
0x15: {  	s29 =	sshrl.u32 s15, $0x3;
	s1 =	sshrl.u32 s1, $0x3;
	[dreg:$0x8] =	wrdreg s12  }
0x16: {  	s15 =	sadd.s32 $0x15E00, s0;
	s0 =	sadd.s32 $0x14E600, s0;
	[dreg:$0x9] =	wrdreg s25  }
0x17: {  	s7 =	sadd.s32 $0x140000, s7;
	s13 =	sadd.s32 s10, s13;
	[dreg:$0xd] =	wrdreg s0  }
0x18: {  	s1 =	sadd.s32 s10, s1;
	[dreg:$0xa] =	wrdreg s13;
	s13 =	sadd.s32 s10, s29  }
0x19: {  	[dreg:$0xc] =	wrdreg s1;
	s10 =	sadd.s32 s19, s11;
	s11 =	sadd.s32 s20, s11  }
0x1a: {  	s1 =	sshrl.u32 s30, $0x2;
	s19 =	sadd.s32 s24, s3;
	s20 =	sadd.s32 s26, s3  }
0x1b: {  	s24 =	sshrl.u32 s22, $0x2;
	s22 =	sadd.s32 $0x630600, s5;
	[dreg:$0xb] =	wrdreg s13  }
0x1c: {  	s29 =	sshrl.u32 s7, $0x3;
	s30 =	smul.u32 $0x4E2, s23;
	[dreg:$0xe] =	wrdreg s10  }
0x1d: {  	s7 =	simm.s32 $0x0;
	[dreg:$0xf] =	wrdreg s11;
	s13 =	sand.u32 $0xFFF80, s14  }
0x1e: {  	s14 =	sadd.s32 s1, s3;
	s1 =	sadd.s32 $0x140000, s19;
	s6 =	sadd.s32 $0x140000, s20  }
0x1f: {  	[dreg:$0x17] =	wrdreg s29;
	s10 =	simm.s32 $0x8A80;
	s19 =	simm.s32 $0x5  }
0x20: {  	s20 =	simm.s32 $0x2;
	s0 =	sadd.s32 s21, s13;
	s21 =	sadd.s32 s17, s3  }
0x21: {  	s25 =	sshrl.u32 s1, $0x3;
	s26 =	sshrl.u32 s6, $0x3;
	[dreg:$0x18] =	wrdreg s30  }
0x22: {  	s1 =	simm.s32 $0x10;
	s13 =	simm.s32 $0x1;
	[dreg:$0x10] =	wrdreg s0  }
0x23: {  	v3 =	vlaneseq.u32;
	v0 =	vimm.f32 $0.0e+00;
	vm0 =	vmmov $0xffff;
	s0 =	sadd.s32 $0x140000, s14;
	s8 =	sadd.s32 $0x140000, s21;
	[dreg:$0x14] =	wrdreg s25  }
0x24: {  	vm1 =	vmmov $0x1;
	vm2 =	vcmask $0x320;
	vm3 =	vcmask $0x720;
	s21 =	sadd.s32 $0x64000, s2;
	s2 =	sadd.s32 s24, s3;
	[dreg:$0x15] =	wrdreg s26  }
0x25: {  	vm4 =	vcmask $0xB20;
	vm5 =	vcmask $0xF20;
	vm6 =	vcmask $0x1320;
	s17 =	simm.s32 $0x3;
	[dreg:$0x12] =	wrdreg s2;
	s0 =	sshrl.u32 s0, $0x3  }
0x26: {  	vm7 =	vcmask $0x1720;
	vm8 =	vcmask $0x1B20;
	v2 =	vshrl.u32 v3, $0x3;
	s14 =	simm.s32 $0x4;
	s28 =	sshrl.u32 s8, $0x3;
	[dreg:$0x13] =	wrdreg s0  }
0x27: {  	v1 =	vand.u32 $0x7, v3;
	v3 =	vor.u32 $0x8, v3;
	v2 =	vmul.u32 $0x8, v2;
	s24 =	simm.s32 $0x0;
	[dreg:$0x16] =	wrdreg s28;
	s0 =	simm.s32 $0x6  }
.LBB2_1:
0x28: {  	[dreg:$0x19] =	wrdreg s7;
	s2 =	simm.s32 $0x0;
	s5 =	simm.s32 $0x200  }
.LBB2_2:
0x29: {  	p0 =	sne.s32 s5, $0x1E00;
	[tilespmem:s2+$0x8AF0] =	vst v0  }
0x2a: {  	[tilespmem:s2+$0x8A80] =	vst v0  }
0x2b: {  	[tilespmem:s2+$0x8A90] =	vst v0  }
.Ltmp0:
0x2c: {  	[tilespmem:s2+$0x8AA0] =	vst v0;
	(pc) =	sbr.rel @p0 .LBB2_2-.Ltmp0, $4  }
0x2d: {  	[tilespmem:s2+$0x8AB0] =	vst v0  }
0x2e: {  	[tilespmem:s2+$0x8AC0] =	vst v0  }
0x2f: {  	[tilespmem:s2+$0x8AD0] =	vst v0  }
0x30: {  	[tilespmem:s2+$0x8AE0] =	vst v0;
	s2 =	sshra.s32 s5, $0x2;
	s5 =	sadd.s32 $0x200, s5  }
0x31: {  	[tilespmem:s2+$0x8AF0] =	vst v0  }
0x32: {  	[tilespmem:s2+$0x8A80] =	vst v0  }
0x33: {  	[tilespmem:s2+$0x8A90] =	vst v0  }
0x34: {  	[tilespmem:s2+$0x8AA0] =	vst v0  }
0x35: {  	[tilespmem:s2+$0x8AB0] =	vst v0  }
0x36: {  	[tilespmem:s2+$0x8AC0] =	vst v0  }
0x37: {  	[tilespmem:s2+$0x8AD0] =	vst v0  }
0x38: {  	[tilespmem:s2+$0x8AE0] =	vst v0;
	s30 =	sadd.s32 $0x0, s21  }
0x39: {  	[tilespmem:s31], [sflag:$0x6] =	stream.linear.gather [hbm4b:s30+s4], $0x10, $0x38;
	[tilespmem:$0x1FA80] =	vst v63  }
0x3a: {  	_ =	swait.ge [sflag:s0], $0x10  }
0x3b: {  	[sflag:s0] =	ssyncset.done $0x0  }
0x3c: {  	[sflag:s0] =	ssyncadd.s32 $0xFFFFFFF0  }
0x3d: {  	[spmem:s3] =	stream.indirect.scatter [tilespmem:s10], [sflag:$0x6], $0x80, s31, s1, $0xb8;
	[tilespmem:$0x1FA80] =	vst v63  }
0x3e: {  	_ =	swait.ge [sflag:s0], $0x800  }
0x3f: {  	s2 =	simm.s32 $0x2;
	s5 =	simm.s32 $0x4;
	[sflag:s0] =	ssyncset.done $0x0  }
.LBB2_4:
0x40: {  	s6 =	sadd.s32 s2, s21  }
0x41: {  	[sflag:s0] =	ssyncadd.s32 $0xFFFFF800;
	s2 =	smov.u32 s5;
	s7 =	sadd.s32 $0x2, s5  }
0x42: {  	[tilespmem:s31], [sflag:$0x6] =	stream.linear.gather [hbm4b:s6+s4], $0x10, $0x38;
	[tilespmem:$0x1FA80] =	vst v63  }
0x43: {  	p0 =	sne.s32 s5, $0x58;
	_ =	swait.ge [sflag:s0], $0x10  }
.Ltmp1:
0x44: {  	[sflag:s0] =	ssyncset.done $0x0;
	(pc) =	sbr.rel @p0 .LBB2_4-.Ltmp1, $4  }
0x45: {  	[sflag:s0] =	ssyncadd.s32 $0xFFFFFFF0  }
0x46: {  	[spmem:s3] =	stream.indirect.scatter [tilespmem:s10], [sflag:$0x6], $0x80, s31, s1, $0xb8;
	[tilespmem:$0x1FA80] =	vst v63  }
0x47: {  	_ =	swait.ge [sflag:s0], $0x800  }
0x48: {  	s5 =	smov.u32 s7;
	[sflag:s0] =	ssyncset.done $0x0  }
0x49: {  	s2 =	sadd.s32 s2, s21;
	[sflag:s0] =	ssyncadd.s32 $0xFFFFF800  }
0x4a: {  	[tilespmem:s31], [sflag:$0x6] =	stream.linear.gather [hbm4b:s2+s4], $0x10, $0x38;
	[tilespmem:$0x1FA80] =	vst v63  }
0x4b: {  	_ =	swait.ge [sflag:s0], $0x10  }
0x4c: {  	[sflag:s0] =	ssyncset.done $0x0  }
0x4d: {  	[sflag:s0] =	ssyncadd.s32 $0xFFFFFFF0  }
0x4e: {  	[spmem:s3] =	stream.indirect.scatter [tilespmem:s10], [sflag:$0x6], $0x80, s31, s1, $0xb8;
	[tilespmem:$0x1FA80] =	vst v63  }
0x4f: {  	_ =	swait.ge [sflag:s0], $0x800  }
0x50: {  	[sflag:s0] =	ssyncset.done $0x0  }
0x51: {  	[sflag:s0] =	ssyncadd.s32 $0xFFFFF800  }
0x52: {  	[bflag:$0x0] =	sbarrier.arrive $0xFFFF  }
0x53: {  	s26 =	rddreg [dreg:$0xe]  }
0x54: {  	[tilespmem:s24], [sflag:$0x1] =	stream.linear.gather [hbm4b:s26+s24], $0x28, $0x38;
	[tilespmem:$0x1FA80] =	vst v63  }
0x55: {  	s5 =	simm.s32 $0x100;
	s28 =	rddreg [dreg:$0xf]  }
0x56: {  	[tilespmem:s5], [sflag:$0x1] =	stream.linear.gather [hbm4b:s28+s24], $0x28, $0x38;
	[tilespmem:$0x1FA80] =	vst v63  }
0x57: {  	s30 =	simm.s32 $0x200;
	s25 =	simm.s32 $0x0;
	s29 =	rddreg [dreg:$0x10]  }
0x58: {  	[tilespmem:s30], [sflag:$0x1] =	stream.linear.gather [hbm4b:s29+s24], $0x800, $0x38;
	[tilespmem:$0x1FA80] =	vst v63  }
.LBB2_6:
0x59: {  	_ =	swait.ge [sflag:s13], $0x28  }
0x5a: {  	[sflag:s13] =	ssyncset.done $0x0  }
0x5b: {  	[sflag:s13] =	ssyncadd.s32 $0xFFFFFFD8  }
0x5c: {  	s2 =	sshllo.u32 s25, $0x1;
	_ =	swait.ge [sflag:s13], $0x28  }
0x5d: {  	s5 =	smul.u32 $0x28, s2;
	[sflag:s13] =	ssyncset.done $0x0  }
0x5e: {  	s7 =	simm.s32 $0x80;
	[sflag:s13] =	ssyncadd.s32 $0xFFFFFFD8  }
0x5f: {  	s2 =	smul.u32 $0x5, s2;
	s28 =	sadd.s32 s9, s5;
	_ =	swait.ge [sflag:s13], $0x800  }
0x60: {  	s5 =	sshrl.u32 s28, $0x3;
	[sflag:s13] =	ssyncset.done $0x0;
	s6 =	rddreg [dreg:$0x4]  }
0x61: {  	s26 =	rddreg [dreg:$0x18];
	[sflag:s13] =	ssyncadd.s32 $0xFFFFF800;
	s6 =	sadd.s32 s6, s5  }
0x62: {  	[tilespmem:s7], [sflag:$0x2] =	stream.linear.gather [hbm4b:s6+s24], $0x28, $0x38;
	[tilespmem:$0x1FA80] =	vst v63  }
0x63: {  	s26 =	sadd.s32 s26, s2;
	s6 =	rddreg [dreg:$0x5]  }
0x64: {  	s7 =	simm.s32 $0x180;
	s8 =	sshll.u32 s26, $0x4;
	s2 =	sadd.s32 s6, s5  }
0x65: {  	[tilespmem:s7], [sflag:$0x2] =	stream.linear.gather [hbm4b:s2+s24], $0x28, $0x38;
	[tilespmem:$0x1FA80] =	vst v63  }
0x66: {  	s11 =	rddreg [dreg:$0x6];
	s2 =	sand.u32 $0xFFFFF80, s8  }
0x67: {  	s12 =	simm.s32 $0xA00;
	s2 =	sadd.s32 s11, s2  }
0x68: {  	[tilespmem:s12], [sflag:$0x2] =	stream.linear.gather [hbm4b:s2+s24], $0x800, $0x38;
	[tilespmem:$0x1FA80] =	vst v63  }
0x69: {  	v4 =	vld [tilespmem:$0x0];
	_ =	sdelay $0x4  }
0x6a: {  	v5 =	vshll.u32 v4, $0x1  }
0x6b: {  	v4 =	vand.u32 $0x7, v4;
	v5 =	vand.u32 $0xFFFFFFF0, v5  }
0x6c: {  	v4 =	vor.u32 v4, v5  }
0x6d: {  	v5 =	vperm.xlane v4, v1;
	_ =	sdelay $0x1  }
0x6e: {  	v4 =	vperm.xlane v4, v3;
	v5 =	vadd.s32 v2, v5;
	_ =	sdelay $0x1  }
0x6f: {  	v4 =	vadd.s32 v2, v4;
	_ =	sdelay $0x1  }
0x70: {  	s16 =	simm.s32 $0x2680  }
0x71: {  	[tilespmem:s16], [sflag:$0x4] =	stream.indirect_vreg.gather [hbm4b:s15+s24], $0x80, v5, vm0, $0xb8;
	[tilespmem:$0x1FA80] =	vst v63  }
0x72: {  	s23 =	simm.s32 $0x2E80  }
0x73: {  	[tilespmem:s23], [sflag:$0x4] =	stream.indirect_vreg.gather [hbm4b:s15+s24], $0x80, v4, vm0, $0xb8;
	[tilespmem:$0x1FA80] =	vst v63  }
0x74: {  	v4 =	vld [tilespmem:$0x10];
	_ =	sdelay $0x4  }
0x75: {  	v5 =	vshll.u32 v4, $0x1  }
0x76: {  	v4 =	vand.u32 $0x7, v4;
	v5 =	vand.u32 $0xFFFFFFF0, v5  }
0x77: {  	v4 =	vor.u32 v4, v5  }
0x78: {  	v5 =	vperm.xlane v4, v1;
	_ =	sdelay $0x1  }
0x79: {  	v4 =	vperm.xlane v4, v3;
	v5 =	vadd.s32 v2, v5;
	_ =	sdelay $0x1  }
0x7a: {  	v4 =	vadd.s32 v2, v4;
	_ =	sdelay $0x1  }
0x7b: {  	s5 =	simm.s32 $0x3680  }
0x7c: {  	[tilespmem:s5], [sflag:$0x4] =	stream.indirect_vreg.gather [hbm4b:s15+s24], $0x80, v5, vm0, $0xb8;
	[tilespmem:$0x1FA80] =	vst v63  }
0x7d: {  	s6 =	simm.s32 $0x3E80  }
0x7e: {  	[tilespmem:s6], [sflag:$0x4] =	stream.indirect_vreg.gather [hbm4b:s15+s24], $0x80, v4, vm0, $0xb8;
	[tilespmem:$0x1FA80] =	vst v63  }
0x7f: {  	v4 =	vld.msk [tilespmem:$0x20], $0xff;
	_ =	sdelay $0x4  }
0x80: {  	v5 =	vshll.u32 v4, $0x1  }
0x81: {  	v4 =	vand.u32 $0x7, v4;
	v5 =	vand.u32 $0xFFFFFFF0, v5  }
0x82: {  	v4 =	vor.u32 v4, v5  }
0x83: {  	v4 =	vperm.xlane v4, v1;
	_ =	sdelay $0x1  }
0x84: {  	v4 =	vadd.s32 v2, v4;
	_ =	sdelay $0x1  }
0x85: {  	s8 =	smul.u32 $0x50, s25  }
0x86: {  	s7 =	simm.s32 $0x4680  }
0x87: {  	s11 =	simm.s32 $0x28;
	s12 =	simm.s32 $0x1280;
	s2 =	sadd.s32 s9, s8  }
0x88: {  	[tilespmem:s7], [sflag:$0x4] =	stream.indirect_vreg.gather [hbm4b:s15+s24], $0x80, v4, vm0, $0xb8;
	[tilespmem:$0x1FA80] =	vst v63  }
0x89: {  	s2 =	sshll.u32 s2, $0x4;
	s16 =	rddreg [dreg:$0xd];
	s23 =	simm.s32 $0x100  }
0x8a: {  	[tilespmem:s12], [sflag:$0x3] =	stream.indirect.gather [hbm4b:s18+s11], $0x80, s23, s11, $0xb8;
	[tilespmem:$0x1FA80] =	vst v63  }
0x8b: {  	s30 =	smov.u32 s18;
	s2 =	sadd.s32 s16, s2;
	s18 =	simm.s32 $0x4E80  }
0x8c: {  	[tilespmem:s18], [sflag:$0x3] =	stream.linear.gather [hbm4b:s2+s24], $0x1400, $0x38;
	[tilespmem:$0x1FA80] =	vst v63  }
0x8d: {  	_ =	swait.ge [sflag:s14], $0x2800  }
0x8e: {  	[sflag:s14] =	ssyncset.done $0x0  }
0x8f: {  	[sflag:s14] =	ssyncadd.s32 $0xFFFFD800  }
0x90: {  	_ =	swait.ge [sflag:s17], $0x1400  }
0x91: {  	[sflag:s17] =	ssyncset.done $0x0  }
0x92: {  	s29 =	sshll.u32 s25, $0x1;
	[sflag:s17] =	ssyncadd.s32 $0xFFFFEC00  }
0x93: {  	s8 =	simm.s32 $0x0;
	s5 =	simm.s32 $0x0;
	_ =	swait.ge [sflag:s17], $0x1400  }
0x94: {  	s11 =	simm.s32 $0x12C0;
	s12 =	simm.s32 $0x0;
	[sflag:s17] =	ssyncset.done $0x0  }
0x95: {  	s18 =	simm.s32 $0x4EC0;
	s2 =	simm.s32 $0x0;
	[sflag:s17] =	ssyncadd.s32 $0xFFFFEC00  }
.LBB2_7:
0x96: {  	s6 =	sand.u32 $0x3800, s8;
	s7 =	sand.u32 $0x380, s2  }
0x97: {  	v5 =	vld [tilespmem:s18+$0xFFFFFFC0];
	s7 =	sor.u32 s7, s6  }
0x98: {  	v4 =	vld [tilespmem:s7+$0x2680];
	_ =	sdelay $0x1  }
0x99: {  	v6 =	vld [tilespmem:s11+$0xFFFFFFC0];
	_ =	sdelay $0x2  }
0x9a: {  	v4 =	vadd.f32 v5, v4;
	_ =	sdelay $0x1  }
0x9b: {  	v4 =	vmul.f32 v4, v6;
	_ =	sdelay $0x1  }
0x9c: {  	(xrf2) =	vadd.scan.msk.f32 $0xffff, v4;
	_ =	sdelay $0x9  }
0x9d: {  	v4, _, _ =	vpop (xrf2)  }
0x9e: {  	(v2sf) =	vpush v4, $0xF;
	_ =	sdelay $0xe  }
0x9f: {  	s16 =	spop (v2sf)  }
0xa0: {  	s6 =	smul.f32 $2.500000000e-01, s16;
	_ =	sdelay $0x1  }
0xa1: {  	v4 =	vmov s6  }
0xa2: {  	v4 =	vmul.f32 $1.442695020e+00, v4;
	_ =	sdelay $0x1  }
0xa3: {  	v4 =	vbroadcast v4, $0x0;
	_ =	sdelay $0x1  }
0xa4: {  	(erf) = vpow2.f32 v4;
	_ =	sdelay $0x2  }
0xa5: {  	v4 =	vld [tilespmem:s7+$0x2A80];
	_ =	sdelay $0x4  }
0xa6: {  	v5 =	vadd.f32 v5, v4  }
0xa7: {  	s16 =	sand.u32 $0x7, s5;
	s6 =	sand.u32 $0x70, s12;
	v4 =	vpop (erf)  }
0xa8: {  	s6 =	sor.u32 s16, s6;
	v5 =	vmul.f32 v4, v5  }
0xa9: {  	s6 =	sshll.u32 s6, $0x7  }
0xaa: {  	[tilespmem:s6+$0x6280] =	vst v5  }
0xab: {  	v5 =	vld [tilespmem:s7+$0x2690]  }
0xac: {  	v50 =	vld [tilespmem:s18+$0xFFFFFFD0];
	_ =	sdelay $0x1  }
0xad: {  	v7 =	vld [tilespmem:s11+$0xFFFFFFD0];
	_ =	sdelay $0x2  }
0xae: {  	v5 =	vadd.f32 v50, v5;
	_ =	sdelay $0x1  }
0xaf: {  	v5 =	vmul.f32 v5, v7;
	_ =	sdelay $0x1  }
0xb0: {  	(xrf2) =	vadd.scan.msk.f32 $0xffff, v5;
	_ =	sdelay $0x9  }
0xb1: {  	v5, _, _ =	vpop (xrf2)  }
0xb2: {  	(v2sf) =	vpush v5, $0xF;
	_ =	sdelay $0xe  }
0xb3: {  	s16 =	spop (v2sf)  }
0xb4: {  	s16 =	smul.f32 $2.500000000e-01, s16;
	_ =	sdelay $0x1  }
0xb5: {  	v5 =	vmov s16  }
0xb6: {  	v5 =	vmul.f32 $1.442695020e+00, v5;
	_ =	sdelay $0x1  }
0xb7: {  	v5 =	vbroadcast v5, $0x0;
	_ =	sdelay $0x1  }
0xb8: {  	(erf) = vpow2.f32 v5;
	_ =	sdelay $0x2  }
0xb9: {  	v5 =	vld [tilespmem:s7+$0x2A90];
	_ =	sdelay $0x4  }
0xba: {  	v5 =	vadd.f32 v50, v5  }
0xbb: {  	v51 =	vpop (erf)  }
0xbc: {  	v5 =	vmul.f32 v51, v5;
	_ =	sdelay $0x1  }
0xbd: {  	[tilespmem:s6+$0x6290] =	vst v5  }
0xbe: {  	v5 =	vld [tilespmem:s7+$0x26A0]  }
0xbf: {  	v52 =	vld [tilespmem:s18+$0xFFFFFFE0];
	_ =	sdelay $0x1  }
0xc0: {  	v8 =	vld [tilespmem:s11+$0xFFFFFFE0];
	_ =	sdelay $0x2  }
0xc1: {  	v5 =	vadd.f32 v52, v5;
	_ =	sdelay $0x1  }
0xc2: {  	v5 =	vmul.f32 v5, v8;
	_ =	sdelay $0x1  }
0xc3: {  	(xrf2) =	vadd.scan.msk.f32 $0xffff, v5;
	_ =	sdelay $0x9  }
0xc4: {  	v5, _, _ =	vpop (xrf2)  }
0xc5: {  	(v2sf) =	vpush v5, $0xF;
	_ =	sdelay $0xe  }
0xc6: {  	s16 =	spop (v2sf)  }
0xc7: {  	s16 =	smul.f32 $2.500000000e-01, s16;
	_ =	sdelay $0x1  }
0xc8: {  	v5 =	vmov s16  }
0xc9: {  	v5 =	vmul.f32 $1.442695020e+00, v5;
	_ =	sdelay $0x1  }
0xca: {  	v5 =	vbroadcast v5, $0x0;
	_ =	sdelay $0x1  }
0xcb: {  	(erf) = vpow2.f32 v5;
	_ =	sdelay $0x2  }
0xcc: {  	v5 =	vld [tilespmem:s7+$0x2AA0];
	_ =	sdelay $0x4  }
0xcd: {  	v5 =	vadd.f32 v52, v5  }
0xce: {  	v53 =	vpop (erf)  }
0xcf: {  	v5 =	vmul.f32 v53, v5;
	_ =	sdelay $0x1  }
0xd0: {  	[tilespmem:s6+$0x62A0] =	vst v5  }
0xd1: {  	v5 =	vld [tilespmem:s7+$0x26B0]  }
0xd2: {  	v54 =	vld [tilespmem:s18+$0xFFFFFFF0];
	_ =	sdelay $0x1  }
0xd3: {  	v9 =	vld [tilespmem:s11+$0xFFFFFFF0];
	_ =	sdelay $0x2  }
0xd4: {  	v5 =	vadd.f32 v54, v5;
	_ =	sdelay $0x1  }
0xd5: {  	v5 =	vmul.f32 v5, v9;
	_ =	sdelay $0x1  }
0xd6: {  	(xrf2) =	vadd.scan.msk.f32 $0xffff, v5;
	_ =	sdelay $0x9  }
0xd7: {  	v5, _, _ =	vpop (xrf2)  }
0xd8: {  	(v2sf) =	vpush v5, $0xF;
	_ =	sdelay $0xe  }
0xd9: {  	s16 =	spop (v2sf)  }
0xda: {  	s16 =	smul.f32 $2.500000000e-01, s16;
	_ =	sdelay $0x1  }
0xdb: {  	v5 =	vmov s16  }
0xdc: {  	v5 =	vmul.f32 $1.442695020e+00, v5;
	_ =	sdelay $0x1  }
0xdd: {  	v5 =	vbroadcast v5, $0x0;
	_ =	sdelay $0x1  }
0xde: {  	(erf) = vpow2.f32 v5;
	_ =	sdelay $0x2  }
0xdf: {  	v5 =	vld [tilespmem:s7+$0x2AB0];
	_ =	sdelay $0x4  }
0xe0: {  	v5 =	vadd.f32 v54, v5  }
0xe1: {  	v55 =	vpop (erf)  }
0xe2: {  	v5 =	vmul.f32 v55, v5;
	_ =	sdelay $0x1  }
0xe3: {  	[tilespmem:s6+$0x62B0] =	vst v5  }
0xe4: {  	v5 =	vld [tilespmem:s7+$0x26C0]  }
0xe5: {  	v56 =	vld [tilespmem:s18+$0x0];
	_ =	sdelay $0x1  }
0xe6: {  	v10 =	vld [tilespmem:s11+$0x0];
	_ =	sdelay $0x2  }
0xe7: {  	v5 =	vadd.f32 v56, v5;
	_ =	sdelay $0x1  }
0xe8: {  	v5 =	vmul.f32 v5, v10;
	_ =	sdelay $0x1  }
0xe9: {  	(xrf2) =	vadd.scan.msk.f32 $0xffff, v5;
	_ =	sdelay $0x9  }
0xea: {  	v5, _, _ =	vpop (xrf2)  }
0xeb: {  	(v2sf) =	vpush v5, $0xF;
	_ =	sdelay $0xe  }
0xec: {  	s16 =	spop (v2sf)  }
0xed: {  	s16 =	smul.f32 $2.500000000e-01, s16;
	_ =	sdelay $0x1  }
0xee: {  	v5 =	vmov s16  }
0xef: {  	v5 =	vmul.f32 $1.442695020e+00, v5;
	_ =	sdelay $0x1  }
0xf0: {  	v5 =	vbroadcast v5, $0x0;
	_ =	sdelay $0x1  }
0xf1: {  	(erf) = vpow2.f32 v5;
	_ =	sdelay $0x2  }
0xf2: {  	v5 =	vld [tilespmem:s7+$0x2AC0];
	_ =	sdelay $0x4  }
0xf3: {  	v5 =	vadd.f32 v56, v5  }
0xf4: {  	v57 =	vpop (erf)  }
0xf5: {  	v5 =	vmul.f32 v57, v5;
	_ =	sdelay $0x1  }
0xf6: {  	[tilespmem:s6+$0x62C0] =	vst v5  }
0xf7: {  	v5 =	vld [tilespmem:s7+$0x26D0]  }
0xf8: {  	v58 =	vld [tilespmem:s18+$0x10];
	_ =	sdelay $0x1  }
0xf9: {  	v11 =	vld [tilespmem:s11+$0x10];
	_ =	sdelay $0x2  }
0xfa: {  	v5 =	vadd.f32 v58, v5;
	_ =	sdelay $0x1  }
0xfb: {  	v5 =	vmul.f32 v5, v11;
	_ =	sdelay $0x1  }
0xfc: {  	(xrf2) =	vadd.scan.msk.f32 $0xffff, v5;
	_ =	sdelay $0x9  }
0xfd: {  	v5, _, _ =	vpop (xrf2)  }
0xfe: {  	(v2sf) =	vpush v5, $0xF;
	_ =	sdelay $0xe  }
0xff: {  	s16 =	spop (v2sf)  }
0x100: {  	s16 =	smul.f32 $2.500000000e-01, s16;
	_ =	sdelay $0x1  }
0x101: {  	v5 =	vmov s16  }
0x102: {  	v5 =	vmul.f32 $1.442695020e+00, v5;
	_ =	sdelay $0x1  }
0x103: {  	v5 =	vbroadcast v5, $0x0;
	_ =	sdelay $0x1  }
0x104: {  	(erf) = vpow2.f32 v5;
	_ =	sdelay $0x2  }
0x105: {  	v5 =	vld [tilespmem:s7+$0x2AD0];
	_ =	sdelay $0x4  }
0x106: {  	v5 =	vadd.f32 v58, v5  }
0x107: {  	v59 =	vpop (erf)  }
0x108: {  	v5 =	vmul.f32 v59, v5;
	_ =	sdelay $0x1  }
0x109: {  	[tilespmem:s6+$0x62D0] =	vst v5  }
0x10a: {  	v5 =	vld [tilespmem:s7+$0x26E0]  }
0x10b: {  	v60 =	vld [tilespmem:s18+$0x20];
	_ =	sdelay $0x1  }
0x10c: {  	v12 =	vld [tilespmem:s11+$0x20];
	_ =	sdelay $0x2  }
0x10d: {  	v5 =	vadd.f32 v60, v5;
	_ =	sdelay $0x1  }
0x10e: {  	v5 =	vmul.f32 v5, v12;
	_ =	sdelay $0x1  }
0x10f: {  	(xrf2) =	vadd.scan.msk.f32 $0xffff, v5;
	_ =	sdelay $0x9  }
0x110: {  	v5, _, _ =	vpop (xrf2)  }
0x111: {  	(v2sf) =	vpush v5, $0xF;
	_ =	sdelay $0xe  }
0x112: {  	s16 =	spop (v2sf)  }
0x113: {  	s16 =	smul.f32 $2.500000000e-01, s16;
	_ =	sdelay $0x1  }
0x114: {  	v5 =	vmov s16  }
0x115: {  	v5 =	vmul.f32 $1.442695020e+00, v5;
	_ =	sdelay $0x1  }
0x116: {  	v5 =	vbroadcast v5, $0x0;
	_ =	sdelay $0x1  }
0x117: {  	(erf) = vpow2.f32 v5;
	_ =	sdelay $0x2  }
0x118: {  	v5 =	vld [tilespmem:s7+$0x2AE0];
	_ =	sdelay $0x4  }
0x119: {  	v5 =	vadd.f32 v60, v5  }
0x11a: {  	v61 =	vpop (erf)  }
0x11b: {  	v5 =	vmul.f32 v61, v5;
	_ =	sdelay $0x1  }
0x11c: {  	[tilespmem:s6+$0x62E0] =	vst v5  }
0x11d: {  	v5 =	vld [tilespmem:s7+$0x26F0]  }
0x11e: {  	v62 =	vld [tilespmem:s18+$0x30];
	_ =	sdelay $0x1  }
0x11f: {  	v13 =	vld [tilespmem:s11+$0x30];
	_ =	sdelay $0x2  }
0x120: {  	v5 =	vadd.f32 v62, v5;
	_ =	sdelay $0x1  }
0x121: {  	v5 =	vmul.f32 v5, v13;
	_ =	sdelay $0x1  }
0x122: {  	(xrf2) =	vadd.scan.msk.f32 $0xffff, v5;
	_ =	sdelay $0x9  }
0x123: {  	v5, _, _ =	vpop (xrf2)  }
0x124: {  	(v2sf) =	vpush v5, $0xF;
	_ =	sdelay $0xe  }
0x125: {  	s16 =	spop (v2sf)  }
0x126: {  	s16 =	smul.f32 $2.500000000e-01, s16;
	_ =	sdelay $0x1  }
0x127: {  	v5 =	vmov s16  }
0x128: {  	v5 =	vmul.f32 $1.442695020e+00, v5;
	_ =	sdelay $0x1  }
0x129: {  	v5 =	vbroadcast v5, $0x0;
	_ =	sdelay $0x1  }
0x12a: {  	(erf) = vpow2.f32 v5;
	_ =	sdelay $0x2  }
0x12b: {  	v5 =	vld [tilespmem:s7+$0x2AF0];
	_ =	sdelay $0x4  }
0x12c: {  	v5 =	vadd.f32 v62, v5  }
0x12d: {  	v63 =	vpop (erf)  }
0x12e: {  	v5 =	vmul.f32 v63, v5;
	_ =	sdelay $0x1  }
0x12f: {  	[tilespmem:s6+$0x62F0] =	vst v5  }
0x130: {  	v5 =	vld [tilespmem:s23+$0x0];
	_ =	sdelay $0x4  }
0x131: {  	(v2sf) =	vpush v5, $0x0;
	_ =	sdelay $0x9  }
0x132: {  	v4 =	vnsel vm1, $0x0, v4  }
0x133: {  	v4 =	vsel vm2, v4, v51  }
0x134: {  	v4 =	vsel vm3, v4, v53  }
0x135: {  	v4 =	vsel vm4, v4, v55  }
0x136: {  	v4 =	vsel vm5, v4, v57  }
0x137: {  	v4 =	vsel vm6, v4, v59;
	s16 =	spop (v2sf)  }
0x138: {  	v4 =	vsel vm7, v4, v61;
	s7 =	sand.u32 $0x7, s16  }
0x139: {  	v4 =	vsel vm8, v4, v63;
	p0 =	seq.s32 s7, $0x0  }
0x13a: {  	p6 =	seq.s32 s7, $0x1;
	v5 =	vpsel !p0, $0x0, v4  }
0x13b: {  	p1 =	seq.s32 s7, $0x2;
	[tilespmem:s6+$0x6680] =	vst v5;
	v5 =	vpsel !p6, $0x0, v4  }
0x13c: {  	p2 =	seq.s32 s7, $0x3;
	[tilespmem:s6+$0x6690] =	vst v5;
	v5 =	vpsel !p1, $0x0, v4  }
0x13d: {  	p3 =	seq.s32 s7, $0x4;
	p0 =	sne.s32 s5, $0x27;
	[tilespmem:s6+$0x66A0] =	vst v5;
	v5 =	vpsel !p2, $0x0, v4  }
.Ltmp2:
0x13e: {  	p4 =	seq.s32 s7, $0x5;
	[tilespmem:s6+$0x66B0] =	vst v5;
	v5 =	vpsel !p3, $0x0, v4;
	(pc) =	sbr.rel @p0 .LBB2_7-.Ltmp2, $4  }
0x13f: {  	p5 =	seq.s32 s7, $0x6;
	[tilespmem:s6+$0x66C0] =	vst v5;
	v5 =	vpsel !p4, $0x0, v4  }
0x140: {  	s8 =	sadd.s32 $0x100, s8;
	p6 =	seq.s32 s7, $0x7;
	[tilespmem:s6+$0x66D0] =	vst v5;
	v5 =	vpsel !p5, $0x0, v4  }
0x141: {  	s2 =	sadd.s32 $0x80, s2;
	s12 =	sadd.s32 $0x2, s12;
	s18 =	sadd.s32 $0x80, s18;
	v4 =	vpsel !p6, $0x0, v4;
	[tilespmem:s6+$0x66E0] =	vst v5  }
0x142: {  	s11 =	sadd.s32 $0x80, s11;
	s23 =	sadd.s32 $0x1, s23;
	s5 =	sadd.s32 $0x1, s5;
	[tilespmem:s6+$0x66F0] =	vst v4  }
0x143: {  	s2 =	rddreg [dreg:$0x7]  }
0x144: {  	s2 =	sadd.s32 s2, s25  }
0x145: {  	s2 =	sshll.u32 s2, $0x8  }
0x146: {  	s2 =	sand.u32 $0x300, s2  }
0x147: {  	s6 =	simm.s32 $0x6280;
	s5 =	sadd.s32 $0x200, s2  }
0x148: {  	[spmem:s3] =	stream.indirect.scatter.add.f32 [tilespmem:s6], [sflag:$0x5], $0x80, s5, s1, $0xb8;
	[tilespmem:$0x1FA80] =	vst v63  }
0x149: {  	s8 =	simm.s32 $0x6A80;
	s7 =	sadd.s32 $0x280, s2  }
0x14a: {  	[spmem:s3] =	stream.indirect.scatter.add.f32 [tilespmem:s8], [sflag:$0x5], $0x80, s7, s1, $0xb8;
	[tilespmem:$0x1FA80] =	vst v63  }
0x14b: {  	s12 =	simm.s32 $0x7280;
	s11 =	sadd.s32 $0x300, s2  }
0x14c: {  	[spmem:s3] =	stream.indirect.scatter.add.f32 [tilespmem:s12], [sflag:$0x5], $0x80, s11, s1, $0xb8;
	[tilespmem:$0x1FA80] =	vst v63  }
0x14d: {  	s18 =	simm.s32 $0x7A80;
	s16 =	sadd.s32 $0x380, s2  }
0x14e: {  	[spmem:s3] =	stream.indirect.scatter.add.f32 [tilespmem:s18], [sflag:$0x5], $0x80, s16, s1, $0xb8;
	[tilespmem:$0x1FA80] =	vst v63  }
0x14f: {  	s23 =	simm.s32 $0x8280;
	s2 =	sor.u32 $0x400, s2  }
0x150: {  	[spmem:s3] =	stream.indirect.scatter.add.f32 [tilespmem:s23], [sflag:$0x5], $0x80, s2, s1, $0xb8;
	[tilespmem:$0x1FA80] =	vst v63  }
0x151: {  	_ =	swait.ge [sflag:s19], $0x800  }
0x152: {  	[sflag:s19] =	ssyncset.done $0x0  }
0x153: {  	[sflag:s19] =	ssyncadd.s32 $0xFFFFF800  }
0x154: {  	_ =	swait.ge [sflag:s19], $0x800  }
0x155: {  	[sflag:s19] =	ssyncset.done $0x0  }
0x156: {  	[sflag:s19] =	ssyncadd.s32 $0xFFFFF800  }
0x157: {  	_ =	swait.ge [sflag:s19], $0x800  }
0x158: {  	[sflag:s19] =	ssyncset.done $0x0  }
0x159: {  	[sflag:s19] =	ssyncadd.s32 $0xFFFFF800  }
0x15a: {  	_ =	swait.ge [sflag:s19], $0x800  }
0x15b: {  	[sflag:s19] =	ssyncset.done $0x0  }
0x15c: {  	[sflag:s19] =	ssyncadd.s32 $0xFFFFF800  }
0x15d: {  	_ =	swait.ge [sflag:s19], $0x800  }
0x15e: {  	[sflag:s19] =	ssyncset.done $0x0  }
0x15f: {  	[sflag:s19] =	ssyncadd.s32 $0xFFFFF800  }
0x160: {  	_ =	swait.ge [sflag:s20], $0x28  }
0x161: {  	[sflag:s20] =	ssyncset.done $0x0  }
0x162: {  	[sflag:s20] =	ssyncadd.s32 $0xFFFFFFD8  }
0x163: {  	s5 =	smin.u32 s29, $0xF7;
	_ =	swait.ge [sflag:s20], $0x28  }
0x164: {  	s2 =	sadd.s32 $0x2, s5;
	[sflag:s20] =	ssyncset.done $0x0  }
0x165: {  	s6 =	smul.u32 $0x28, s2;
	[sflag:s20] =	ssyncadd.s32 $0xFFFFFFD8  }
0x166: {  	s29 =	simm.s32 $0x0;
	_ =	swait.ge [sflag:s20], $0x800  }
0x167: {  	s2 =	smul.u32 $0x5, s2;
	s5 =	sadd.s32 s9, s6;
	s7 =	rddreg [dreg:$0x4]  }
0x168: {  	s5 =	sshrl.u32 s5, $0x3;
	[sflag:s20] =	ssyncset.done $0x0;
	s8 =	rddreg [dreg:$0x18]  }
0x169: {  	[sflag:s20] =	ssyncadd.s32 $0xFFFFF800;
	s6 =	sadd.s32 s7, s5;
	s2 =	sadd.s32 s8, s2  }
0x16a: {  	[tilespmem:s29], [sflag:$0x1] =	stream.linear.gather [hbm4b:s6+s29], $0x28, $0x38;
	[tilespmem:$0x1FA80] =	vst v63  }
0x16b: {  	s12 =	simm.s32 $0x100;
	s11 =	rddreg [dreg:$0x5];
	s2 =	sshll.u32 s2, $0x4  }
0x16c: {  	s16 =	rddreg [dreg:$0x6];
	s5 =	sadd.s32 s11, s5;
	s2 =	sand.u32 $0x1FFF80, s2  }
0x16d: {  	[tilespmem:s12], [sflag:$0x1] =	stream.linear.gather [hbm4b:s5+s29], $0x28, $0x38;
	[tilespmem:$0x1FA80] =	vst v63  }
0x16e: {  	s18 =	simm.s32 $0x200;
	s2 =	sadd.s32 s16, s2  }
0x16f: {  	[tilespmem:s18], [sflag:$0x1] =	stream.linear.gather [hbm4b:s2+s29], $0x800, $0x38;
	[tilespmem:$0x1FA80] =	vst v63  }
0x170: {  	v4 =	vld [tilespmem:$0x80];
	_ =	sdelay $0x4  }
0x171: {  	v5 =	vshll.u32 v4, $0x1  }
0x172: {  	v4 =	vand.u32 $0x7, v4;
	v5 =	vand.u32 $0xFFFFFFF0, v5  }
0x173: {  	v4 =	vor.u32 v4, v5  }
0x174: {  	v5 =	vperm.xlane v4, v1;
	_ =	sdelay $0x1  }
0x175: {  	v4 =	vperm.xlane v4, v3;
	v5 =	vadd.s32 v2, v5;
	_ =	sdelay $0x1  }
0x176: {  	v4 =	vadd.s32 v2, v4;
	_ =	sdelay $0x1  }
0x177: {  	s23 =	simm.s32 $0x2680  }
0x178: {  	[tilespmem:s23], [sflag:$0x4] =	stream.indirect_vreg.gather [hbm4b:s15+s29], $0x80, v5, vm0, $0xb8;
	[tilespmem:$0x1FA80] =	vst v63  }
0x179: {  	s5 =	simm.s32 $0x2E80  }
0x17a: {  	[tilespmem:s5], [sflag:$0x4] =	stream.indirect_vreg.gather [hbm4b:s15+s29], $0x80, v4, vm0, $0xb8;
	[tilespmem:$0x1FA80] =	vst v63  }
0x17b: {  	v4 =	vld [tilespmem:$0x90];
	_ =	sdelay $0x4  }
0x17c: {  	v5 =	vshll.u32 v4, $0x1  }
0x17d: {  	v4 =	vand.u32 $0x7, v4;
	v5 =	vand.u32 $0xFFFFFFF0, v5  }
0x17e: {  	v4 =	vor.u32 v4, v5  }
0x17f: {  	v5 =	vperm.xlane v4, v1;
	_ =	sdelay $0x1  }
0x180: {  	v4 =	vperm.xlane v4, v3;
	v5 =	vadd.s32 v2, v5;
	_ =	sdelay $0x1  }
0x181: {  	v4 =	vadd.s32 v2, v4;
	_ =	sdelay $0x1  }
0x182: {  	s6 =	simm.s32 $0x3680  }
0x183: {  	[tilespmem:s6], [sflag:$0x4] =	stream.indirect_vreg.gather [hbm4b:s15+s29], $0x80, v5, vm0, $0xb8;
	[tilespmem:$0x1FA80] =	vst v63  }
0x184: {  	s7 =	simm.s32 $0x3E80  }
0x185: {  	[tilespmem:s7], [sflag:$0x4] =	stream.indirect_vreg.gather [hbm4b:s15+s29], $0x80, v4, vm0, $0xb8;
	[tilespmem:$0x1FA80] =	vst v63  }
0x186: {  	v4 =	vld.msk [tilespmem:$0xA0], $0xff;
	_ =	sdelay $0x4  }
0x187: {  	v5 =	vshll.u32 v4, $0x1  }
0x188: {  	v4 =	vand.u32 $0x7, v4;
	v5 =	vand.u32 $0xFFFFFFF0, v5  }
0x189: {  	v4 =	vor.u32 v4, v5  }
0x18a: {  	v4 =	vperm.xlane v4, v1;
	_ =	sdelay $0x1  }
0x18b: {  	v4 =	vadd.s32 v2, v4;
	_ =	sdelay $0x3  }
0x18c: {  	s8 =	simm.s32 $0x4680;
	s11 =	simm.s32 $0x28;
	s12 =	simm.s32 $0x1280  }
0x18d: {  	[tilespmem:s8], [sflag:$0x4] =	stream.indirect_vreg.gather [hbm4b:s15+s29], $0x80, v4, vm0, $0xb8;
	[tilespmem:$0x1FA80] =	vst v63  }
0x18e: {  	s16 =	sshll.u32 s28, $0x4;
	s28 =	rddreg [dreg:$0xd];
	s23 =	simm.s32 $0x180  }
0x18f: {  	[tilespmem:s12], [sflag:$0x3] =	stream.indirect.gather [hbm4b:s30+s11], $0x80, s23, s11, $0xb8;
	[tilespmem:$0x1FA80] =	vst v63  }
0x190: {  	s18 =	smov.u32 s30;
	s2 =	sadd.s32 s28, s16;
	s30 =	simm.s32 $0x4E80  }
0x191: {  	[tilespmem:s30], [sflag:$0x3] =	stream.linear.gather [hbm4b:s2+s29], $0x1400, $0x38;
	[tilespmem:$0x1FA80] =	vst v63  }
0x192: {  	_ =	swait.ge [sflag:s14], $0x2800  }
0x193: {  	[sflag:s14] =	ssyncset.done $0x0  }
0x194: {  	[sflag:s14] =	ssyncadd.s32 $0xFFFFD800  }
0x195: {  	_ =	swait.ge [sflag:s17], $0x1400  }
0x196: {  	[sflag:s17] =	ssyncset.done $0x0  }
0x197: {  	[sflag:s17] =	ssyncadd.s32 $0xFFFFEC00  }
0x198: {  	s5 =	simm.s32 $0x0;
	_ =	swait.ge [sflag:s17], $0x1400  }
0x199: {  	s8 =	simm.s32 $0x0;
	s11 =	simm.s32 $0x4EC0;
	[sflag:s17] =	ssyncset.done $0x0  }
0x19a: {  	s12 =	simm.s32 $0x12C0;
	s2 =	simm.s32 $0x0;
	[sflag:s17] =	ssyncadd.s32 $0xFFFFEC00  }
.LBB2_9:
0x19b: {  	s6 =	sand.u32 $0x3800, s8;
	s7 =	sand.u32 $0x380, s2  }
0x19c: {  	v5 =	vld [tilespmem:s11+$0xFFFFFFC0];
	s7 =	sor.u32 s7, s6  }
0x19d: {  	v4 =	vld [tilespmem:s7+$0x2680];
	_ =	sdelay $0x1  }
0x19e: {  	v6 =	vld [tilespmem:s12+$0xFFFFFFC0];
	_ =	sdelay $0x2  }
0x19f: {  	v4 =	vadd.f32 v5, v4;
	_ =	sdelay $0x1  }
0x1a0: {  	v4 =	vmul.f32 v4, v6;
	_ =	sdelay $0x1  }
0x1a1: {  	(xrf2) =	vadd.scan.msk.f32 $0xffff, v4;
	_ =	sdelay $0x9  }
0x1a2: {  	v4, _, _ =	vpop (xrf2)  }
0x1a3: {  	(v2sf) =	vpush v4, $0xF;
	_ =	sdelay $0xe  }
0x1a4: {  	s28 =	spop (v2sf)  }
0x1a5: {  	s6 =	smul.f32 $2.500000000e-01, s28;
	_ =	sdelay $0x1  }
0x1a6: {  	v4 =	vmov s6  }
0x1a7: {  	v4 =	vmul.f32 $1.442695020e+00, v4;
	_ =	sdelay $0x1  }
0x1a8: {  	v4 =	vbroadcast v4, $0x0;
	_ =	sdelay $0x1  }
0x1a9: {  	(erf) = vpow2.f32 v4;
	_ =	sdelay $0x2  }
0x1aa: {  	v4 =	vld [tilespmem:s7+$0x2A80];
	_ =	sdelay $0x4  }
0x1ab: {  	v5 =	vadd.f32 v5, v4  }
0x1ac: {  	s30 =	sand.u32 $0x70, s29;
	s16 =	sand.u32 $0x7, s5;
	v4 =	vpop (erf)  }
0x1ad: {  	s6 =	sor.u32 s16, s30;
	v5 =	vmul.f32 v4, v5  }
0x1ae: {  	s6 =	sshll.u32 s6, $0x7  }
0x1af: {  	[tilespmem:s6+$0x6280] =	vst v5  }
0x1b0: {  	v5 =	vld [tilespmem:s7+$0x2690]  }
0x1b1: {  	v50 =	vld [tilespmem:s11+$0xFFFFFFD0];
	_ =	sdelay $0x1  }
0x1b2: {  	v7 =	vld [tilespmem:s12+$0xFFFFFFD0];
	_ =	sdelay $0x2  }
0x1b3: {  	v5 =	vadd.f32 v50, v5;
	_ =	sdelay $0x1  }
0x1b4: {  	v5 =	vmul.f32 v5, v7;
	_ =	sdelay $0x1  }
0x1b5: {  	(xrf2) =	vadd.scan.msk.f32 $0xffff, v5;
	_ =	sdelay $0x9  }
0x1b6: {  	v5, _, _ =	vpop (xrf2)  }
0x1b7: {  	(v2sf) =	vpush v5, $0xF;
	_ =	sdelay $0xe  }
0x1b8: {  	s28 =	spop (v2sf)  }
0x1b9: {  	s16 =	smul.f32 $2.500000000e-01, s28;
	_ =	sdelay $0x1  }
0x1ba: {  	v5 =	vmov s16  }
0x1bb: {  	v5 =	vmul.f32 $1.442695020e+00, v5;
	_ =	sdelay $0x1  }
0x1bc: {  	v5 =	vbroadcast v5, $0x0;
	_ =	sdelay $0x1  }
0x1bd: {  	(erf) = vpow2.f32 v5;
	_ =	sdelay $0x2  }
0x1be: {  	v5 =	vld [tilespmem:s7+$0x2A90];
	_ =	sdelay $0x4  }
0x1bf: {  	v5 =	vadd.f32 v50, v5  }
0x1c0: {  	v51 =	vpop (erf)  }
0x1c1: {  	v5 =	vmul.f32 v51, v5;
	_ =	sdelay $0x1  }
0x1c2: {  	[tilespmem:s6+$0x6290] =	vst v5  }
0x1c3: {  	v5 =	vld [tilespmem:s7+$0x26A0]  }
0x1c4: {  	v52 =	vld [tilespmem:s11+$0xFFFFFFE0];
	_ =	sdelay $0x1  }
0x1c5: {  	v8 =	vld [tilespmem:s12+$0xFFFFFFE0];
	_ =	sdelay $0x2  }
0x1c6: {  	v5 =	vadd.f32 v52, v5;
	_ =	sdelay $0x1  }
0x1c7: {  	v5 =	vmul.f32 v5, v8;
	_ =	sdelay $0x1  }
0x1c8: {  	(xrf2) =	vadd.scan.msk.f32 $0xffff, v5;
	_ =	sdelay $0x9  }
0x1c9: {  	v5, _, _ =	vpop (xrf2)  }
0x1ca: {  	(v2sf) =	vpush v5, $0xF;
	_ =	sdelay $0xe  }
0x1cb: {  	s30 =	spop (v2sf)  }
0x1cc: {  	s16 =	smul.f32 $2.500000000e-01, s30;
	_ =	sdelay $0x1  }
0x1cd: {  	v5 =	vmov s16  }
0x1ce: {  	v5 =	vmul.f32 $1.442695020e+00, v5;
	_ =	sdelay $0x1  }
0x1cf: {  	v5 =	vbroadcast v5, $0x0;
	_ =	sdelay $0x1  }
0x1d0: {  	(erf) = vpow2.f32 v5;
	_ =	sdelay $0x2  }
0x1d1: {  	v5 =	vld [tilespmem:s7+$0x2AA0];
	_ =	sdelay $0x4  }
0x1d2: {  	v5 =	vadd.f32 v52, v5  }
0x1d3: {  	v53 =	vpop (erf)  }
0x1d4: {  	v5 =	vmul.f32 v53, v5;
	_ =	sdelay $0x1  }
0x1d5: {  	[tilespmem:s6+$0x62A0] =	vst v5  }
0x1d6: {  	v5 =	vld [tilespmem:s7+$0x26B0]  }
0x1d7: {  	v54 =	vld [tilespmem:s11+$0xFFFFFFF0];
	_ =	sdelay $0x1  }
0x1d8: {  	v9 =	vld [tilespmem:s12+$0xFFFFFFF0];
	_ =	sdelay $0x2  }
0x1d9: {  	v5 =	vadd.f32 v54, v5;
	_ =	sdelay $0x1  }
0x1da: {  	v5 =	vmul.f32 v5, v9;
	_ =	sdelay $0x1  }
0x1db: {  	(xrf2) =	vadd.scan.msk.f32 $0xffff, v5;
	_ =	sdelay $0x9  }
0x1dc: {  	v5, _, _ =	vpop (xrf2)  }
0x1dd: {  	(v2sf) =	vpush v5, $0xF;
	_ =	sdelay $0xe  }
0x1de: {  	s28 =	spop (v2sf)  }
0x1df: {  	s16 =	smul.f32 $2.500000000e-01, s28;
	_ =	sdelay $0x1  }
0x1e0: {  	v5 =	vmov s16  }
0x1e1: {  	v5 =	vmul.f32 $1.442695020e+00, v5;
	_ =	sdelay $0x1  }
0x1e2: {  	v5 =	vbroadcast v5, $0x0;
	_ =	sdelay $0x1  }
0x1e3: {  	(erf) = vpow2.f32 v5;
	_ =	sdelay $0x2  }
0x1e4: {  	v5 =	vld [tilespmem:s7+$0x2AB0];
	_ =	sdelay $0x4  }
0x1e5: {  	v5 =	vadd.f32 v54, v5  }
0x1e6: {  	v55 =	vpop (erf)  }
0x1e7: {  	v5 =	vmul.f32 v55, v5;
	_ =	sdelay $0x1  }
0x1e8: {  	[tilespmem:s6+$0x62B0] =	vst v5  }
0x1e9: {  	v5 =	vld [tilespmem:s7+$0x26C0]  }
0x1ea: {  	v56 =	vld [tilespmem:s11+$0x0];
	_ =	sdelay $0x1  }
0x1eb: {  	v10 =	vld [tilespmem:s12+$0x0];
	_ =	sdelay $0x2  }
0x1ec: {  	v5 =	vadd.f32 v56, v5;
	_ =	sdelay $0x1  }
0x1ed: {  	v5 =	vmul.f32 v5, v10;
	_ =	sdelay $0x1  }
0x1ee: {  	(xrf2) =	vadd.scan.msk.f32 $0xffff, v5;
	_ =	sdelay $0x9  }
0x1ef: {  	v5, _, _ =	vpop (xrf2)  }
0x1f0: {  	(v2sf) =	vpush v5, $0xF;
	_ =	sdelay $0xe  }
0x1f1: {  	s30 =	spop (v2sf)  }
0x1f2: {  	s16 =	smul.f32 $2.500000000e-01, s30;
	_ =	sdelay $0x1  }
0x1f3: {  	v5 =	vmov s16  }
0x1f4: {  	v5 =	vmul.f32 $1.442695020e+00, v5;
	_ =	sdelay $0x1  }
0x1f5: {  	v5 =	vbroadcast v5, $0x0;
	_ =	sdelay $0x1  }
0x1f6: {  	(erf) = vpow2.f32 v5;
	_ =	sdelay $0x2  }
0x1f7: {  	v5 =	vld [tilespmem:s7+$0x2AC0];
	_ =	sdelay $0x4  }
0x1f8: {  	v5 =	vadd.f32 v56, v5  }
0x1f9: {  	v57 =	vpop (erf)  }
0x1fa: {  	v5 =	vmul.f32 v57, v5;
	_ =	sdelay $0x1  }
0x1fb: {  	[tilespmem:s6+$0x62C0] =	vst v5  }
0x1fc: {  	v5 =	vld [tilespmem:s7+$0x26D0]  }
0x1fd: {  	v58 =	vld [tilespmem:s11+$0x10];
	_ =	sdelay $0x1  }
0x1fe: {  	v11 =	vld [tilespmem:s12+$0x10];
	_ =	sdelay $0x2  }
0x1ff: {  	v5 =	vadd.f32 v58, v5;
	_ =	sdelay $0x1  }
0x200: {  	v5 =	vmul.f32 v5, v11;
	_ =	sdelay $0x1  }
0x201: {  	(xrf2) =	vadd.scan.msk.f32 $0xffff, v5;
	_ =	sdelay $0x9  }
0x202: {  	v5, _, _ =	vpop (xrf2)  }
0x203: {  	(v2sf) =	vpush v5, $0xF;
	_ =	sdelay $0xe  }
0x204: {  	s28 =	spop (v2sf)  }
0x205: {  	s16 =	smul.f32 $2.500000000e-01, s28;
	_ =	sdelay $0x1  }
0x206: {  	v5 =	vmov s16  }
0x207: {  	v5 =	vmul.f32 $1.442695020e+00, v5;
	_ =	sdelay $0x1  }
0x208: {  	v5 =	vbroadcast v5, $0x0;
	_ =	sdelay $0x1  }
0x209: {  	(erf) = vpow2.f32 v5;
	_ =	sdelay $0x2  }
0x20a: {  	v5 =	vld [tilespmem:s7+$0x2AD0];
	_ =	sdelay $0x4  }
0x20b: {  	v5 =	vadd.f32 v58, v5  }
0x20c: {  	v59 =	vpop (erf)  }
0x20d: {  	v5 =	vmul.f32 v59, v5;
	_ =	sdelay $0x1  }
0x20e: {  	[tilespmem:s6+$0x62D0] =	vst v5  }
0x20f: {  	v5 =	vld [tilespmem:s7+$0x26E0]  }
0x210: {  	v60 =	vld [tilespmem:s11+$0x20];
	_ =	sdelay $0x1  }
0x211: {  	v12 =	vld [tilespmem:s12+$0x20];
	_ =	sdelay $0x2  }
0x212: {  	v5 =	vadd.f32 v60, v5;
	_ =	sdelay $0x1  }
0x213: {  	v5 =	vmul.f32 v5, v12;
	_ =	sdelay $0x1  }
0x214: {  	(xrf2) =	vadd.scan.msk.f32 $0xffff, v5;
	_ =	sdelay $0x9  }
0x215: {  	v5, _, _ =	vpop (xrf2)  }
0x216: {  	(v2sf) =	vpush v5, $0xF;
	_ =	sdelay $0xe  }
0x217: {  	s30 =	spop (v2sf)  }
0x218: {  	s16 =	smul.f32 $2.500000000e-01, s30;
	_ =	sdelay $0x1  }
0x219: {  	v5 =	vmov s16  }
0x21a: {  	v5 =	vmul.f32 $1.442695020e+00, v5;
	_ =	sdelay $0x1  }
0x21b: {  	v5 =	vbroadcast v5, $0x0;
	_ =	sdelay $0x1  }
0x21c: {  	(erf) = vpow2.f32 v5;
	_ =	sdelay $0x2  }
0x21d: {  	v5 =	vld [tilespmem:s7+$0x2AE0];
	_ =	sdelay $0x4  }
0x21e: {  	v5 =	vadd.f32 v60, v5  }
0x21f: {  	v61 =	vpop (erf)  }
0x220: {  	v5 =	vmul.f32 v61, v5;
	_ =	sdelay $0x1  }
0x221: {  	[tilespmem:s6+$0x62E0] =	vst v5  }
0x222: {  	v5 =	vld [tilespmem:s7+$0x26F0]  }
0x223: {  	v62 =	vld [tilespmem:s11+$0x30];
	_ =	sdelay $0x1  }
0x224: {  	v13 =	vld [tilespmem:s12+$0x30];
	_ =	sdelay $0x2  }
0x225: {  	v5 =	vadd.f32 v62, v5;
	_ =	sdelay $0x1  }
0x226: {  	v5 =	vmul.f32 v5, v13;
	_ =	sdelay $0x1  }
0x227: {  	(xrf2) =	vadd.scan.msk.f32 $0xffff, v5;
	_ =	sdelay $0x9  }
0x228: {  	v5, _, _ =	vpop (xrf2)  }
0x229: {  	(v2sf) =	vpush v5, $0xF;
	_ =	sdelay $0xe  }
0x22a: {  	s28 =	spop (v2sf)  }
0x22b: {  	s16 =	smul.f32 $2.500000000e-01, s28;
	_ =	sdelay $0x1  }
0x22c: {  	v5 =	vmov s16  }
0x22d: {  	v5 =	vmul.f32 $1.442695020e+00, v5;
	_ =	sdelay $0x1  }
0x22e: {  	v5 =	vbroadcast v5, $0x0;
	_ =	sdelay $0x1  }
0x22f: {  	(erf) = vpow2.f32 v5;
	_ =	sdelay $0x2  }
0x230: {  	v5 =	vld [tilespmem:s7+$0x2AF0];
	_ =	sdelay $0x4  }
0x231: {  	v5 =	vadd.f32 v62, v5  }
0x232: {  	v63 =	vpop (erf)  }
0x233: {  	v5 =	vmul.f32 v63, v5;
	_ =	sdelay $0x1  }
0x234: {  	[tilespmem:s6+$0x62F0] =	vst v5  }
0x235: {  	v5 =	vld [tilespmem:s23+$0x0];
	_ =	sdelay $0x4  }
0x236: {  	(v2sf) =	vpush v5, $0x0;
	_ =	sdelay $0x9  }
0x237: {  	v4 =	vnsel vm1, $0x0, v4  }
0x238: {  	v4 =	vsel vm2, v4, v51  }
0x239: {  	v4 =	vsel vm3, v4, v53  }
0x23a: {  	v4 =	vsel vm4, v4, v55  }
0x23b: {  	v4 =	vsel vm5, v4, v57  }
0x23c: {  	v4 =	vsel vm6, v4, v59;
	s30 =	spop (v2sf)  }
0x23d: {  	v4 =	vsel vm7, v4, v61;
	s7 =	sand.u32 $0x7, s30  }
0x23e: {  	v4 =	vsel vm8, v4, v63;
	p0 =	seq.s32 s7, $0x0  }
0x23f: {  	p6 =	seq.s32 s7, $0x1;
	v5 =	vpsel !p0, $0x0, v4  }
0x240: {  	p1 =	seq.s32 s7, $0x2;
	[tilespmem:s6+$0x6680] =	vst v5;
	v5 =	vpsel !p6, $0x0, v4  }
0x241: {  	p2 =	seq.s32 s7, $0x3;
	[tilespmem:s6+$0x6690] =	vst v5;
	v5 =	vpsel !p1, $0x0, v4  }
0x242: {  	p3 =	seq.s32 s7, $0x4;
	p0 =	sne.s32 s5, $0x27;
	[tilespmem:s6+$0x66A0] =	vst v5;
	v5 =	vpsel !p2, $0x0, v4  }
.Ltmp3:
0x243: {  	p4 =	seq.s32 s7, $0x5;
	[tilespmem:s6+$0x66B0] =	vst v5;
	v5 =	vpsel !p3, $0x0, v4;
	(pc) =	sbr.rel @p0 .LBB2_9-.Ltmp3, $4  }
0x244: {  	p5 =	seq.s32 s7, $0x6;
	[tilespmem:s6+$0x66C0] =	vst v5;
	v5 =	vpsel !p4, $0x0, v4  }
0x245: {  	s8 =	sadd.s32 $0x100, s8;
	p6 =	seq.s32 s7, $0x7;
	[tilespmem:s6+$0x66D0] =	vst v5;
	v5 =	vpsel !p5, $0x0, v4  }
0x246: {  	s2 =	sadd.s32 $0x80, s2;
	s29 =	sadd.s32 $0x2, s29;
	s11 =	sadd.s32 $0x80, s11;
	v4 =	vpsel !p6, $0x0, v4;
	[tilespmem:s6+$0x66E0] =	vst v5  }
0x247: {  	s12 =	sadd.s32 $0x80, s12;
	s23 =	sadd.s32 $0x1, s23;
	s5 =	sadd.s32 $0x1, s5;
	[tilespmem:s6+$0x66F0] =	vst v4  }
0x248: {  	s2 =	sshll.u32 s26, $0x7  }
0x249: {  	s2 =	sand.u32 $0x380, s2  }
0x24a: {  	s6 =	simm.s32 $0x6280;
	s5 =	sadd.s32 $0xA00, s2  }
0x24b: {  	[spmem:s3] =	stream.indirect.scatter.add.f32 [tilespmem:s6], [sflag:$0x5], $0x80, s5, s1, $0xb8;
	[tilespmem:$0x1FA80] =	vst v63  }
0x24c: {  	s16 =	simm.s32 $0x6A80;
	s12 =	sadd.s32 $0xA80, s2  }
0x24d: {  	[spmem:s3] =	stream.indirect.scatter.add.f32 [tilespmem:s16], [sflag:$0x5], $0x80, s12, s1, $0xb8;
	[tilespmem:$0x1FA80] =	vst v63  }
0x24e: {  	s26 =	simm.s32 $0x7280;
	s23 =	sadd.s32 $0xB00, s2  }
0x24f: {  	[spmem:s3] =	stream.indirect.scatter.add.f32 [tilespmem:s26], [sflag:$0x5], $0x80, s23, s1, $0xb8;
	[tilespmem:$0x1FA80] =	vst v63  }
0x250: {  	s29 =	simm.s32 $0x7A80;
	s28 =	sadd.s32 $0xB80, s2  }
0x251: {  	[spmem:s3] =	stream.indirect.scatter.add.f32 [tilespmem:s29], [sflag:$0x5], $0x80, s28, s1, $0xb8;
	[tilespmem:$0x1FA80] =	vst v63  }
0x252: {  	s30 =	simm.s32 $0x8280;
	s2 =	sor.u32 $0xC00, s2  }
0x253: {  	[spmem:s3] =	stream.indirect.scatter.add.f32 [tilespmem:s30], [sflag:$0x5], $0x80, s2, s1, $0xb8;
	[tilespmem:$0x1FA80] =	vst v63  }
0x254: {  	_ =	swait.ge [sflag:s19], $0x800  }
0x255: {  	[sflag:s19] =	ssyncset.done $0x0  }
0x256: {  	[sflag:s19] =	ssyncadd.s32 $0xFFFFF800  }
0x257: {  	_ =	swait.ge [sflag:s19], $0x800  }
0x258: {  	[sflag:s19] =	ssyncset.done $0x0  }
0x259: {  	[sflag:s19] =	ssyncadd.s32 $0xFFFFF800  }
0x25a: {  	_ =	swait.ge [sflag:s19], $0x800  }
0x25b: {  	[sflag:s19] =	ssyncset.done $0x0  }
0x25c: {  	s25 =	sadd.s32 $0x1, s25;
	[sflag:s19] =	ssyncadd.s32 $0xFFFFF800  }
0x25d: {  	p0 =	sne.s32 s25, $0x7D;
	_ =	swait.ge [sflag:s19], $0x800  }
.Ltmp4:
0x25e: {  	[sflag:s19] =	ssyncset.done $0x0;
	(pc) =	sbr.rel @p0 .LBB2_6-.Ltmp4, $4  }
0x25f: {  	[sflag:s19] =	ssyncadd.s32 $0xFFFFF800  }
0x260: {  	_ =	swait.ge [sflag:s19], $0x800  }
0x261: {  	[sflag:s19] =	ssyncset.done $0x0  }
0x262: {  	[sflag:s19] =	ssyncadd.s32 $0xFFFFF800  }
0x263: {  	_ =	swait.ge [sflag:s13], $0x28  }
0x264: {  	[sflag:s13] =	ssyncset.done $0x0  }
0x265: {  	[sflag:s13] =	ssyncadd.s32 $0xFFFFFFD8  }
0x266: {  	_ =	swait.ge [sflag:s13], $0x28  }
0x267: {  	[sflag:s13] =	ssyncset.done $0x0  }
0x268: {  	[sflag:s13] =	ssyncadd.s32 $0xFFFFFFD8  }
0x269: {  	_ =	swait.ge [sflag:s13], $0x800  }
0x26a: {  	[sflag:s13] =	ssyncset.done $0x0  }
0x26b: {  	[sflag:s13] =	ssyncadd.s32 $0xFFFFF800  }
0x26c: {  	s2 =	stileid.u32;
	[bflag:$0x0] =	sbarrier.arrive $0xFFFF  }
0x26d: {  	s2 =	sshll.u32 s2, $0x6;
	s7 =	rddreg [dreg:$0x12]  }
0x26e: {  	s5 =	sadd.s32 $0x0, s22;
	s2 =	sor.u32 $0x1C06, s2;
	s6 =	sshrl.u32 s7, $0x3  }
0x26f: {  	[hbm:s5], [sflag:s2] =	dma.local [spmem:s6], $0x100  }
0x270: {  	s5 =	simm.s32 $0x100;
	s6 =	sadd.s32 $0x800, s7;
	_ =	swait.ge [sflag:s0], $0x100  }
.LBB2_12:
0x271: {  	s7 =	sadd.s32 s5, s22;
	[sflag:s0] =	ssyncset.done $0x0;
	p0 =	seq.s32 s5, $0x2700  }
.Ltmp5:
0x272: {  	s8 =	sshrl.u32 s6, $0x3;
	[sflag:s0] =	ssyncadd.s32 $0xFFFFFF00;
	(pc) =	sbr.rel @!p0 .LBB2_12-.Ltmp5, $3  }
0x273: {  	[hbm:s7], [sflag:s2] =	dma.local [spmem:s8], $0x100  }
0x274: {  	s5 =	sadd.s32 $0x100, s5;
	_ =	sdelay $0x1  }
0x275: {  	s6 =	sadd.s32 $0x800, s6;
	_ =	swait.ge [sflag:s0], $0x100  }
0x276: {  	s7 =	rddreg [dreg:$0x19]  }
0x277: {  	[sflag:s0] =	ssyncset.done $0x0;
	s5 =	rddreg [dreg:$0x8]  }
0x278: {  	s6 =	rddreg [dreg:$0x13];
	[sflag:s0] =	ssyncadd.s32 $0xFFFFFF00  }
0x279: {  	[hbm:s5], [sflag:s2] =	dma.local [spmem:s6], $0x100  }
0x27a: {  	_ =	swait.ge [sflag:s0], $0x100  }
0x27b: {  	[sflag:s0] =	ssyncset.done $0x0;
	s11 =	rddreg [dreg:$0x9]  }
0x27c: {  	s12 =	rddreg [dreg:$0x14];
	[sflag:s0] =	ssyncadd.s32 $0xFFFFFF00  }
0x27d: {  	[hbm:s11], [sflag:s2] =	dma.local [spmem:s12], $0x100  }
0x27e: {  	_ =	swait.ge [sflag:s0], $0x100  }
0x27f: {  	[sflag:s0] =	ssyncset.done $0x0;
	s16 =	rddreg [dreg:$0xa]  }
0x280: {  	s23 =	rddreg [dreg:$0x15];
	[sflag:s0] =	ssyncadd.s32 $0xFFFFFF00  }
0x281: {  	[hbm:s16], [sflag:s2] =	dma.local [spmem:s23], $0x100  }
0x282: {  	_ =	swait.ge [sflag:s0], $0x100  }
0x283: {  	[sflag:s0] =	ssyncset.done $0x0;
	s25 =	rddreg [dreg:$0xb]  }
0x284: {  	s26 =	rddreg [dreg:$0x16];
	[sflag:s0] =	ssyncadd.s32 $0xFFFFFF00  }
0x285: {  	[hbm:s25], [sflag:s2] =	dma.local [spmem:s26], $0x100  }
0x286: {  	_ =	swait.ge [sflag:s0], $0x100  }
0x287: {  	[sflag:s0] =	ssyncset.done $0x0;
	s28 =	rddreg [dreg:$0xc]  }
0x288: {  	s29 =	rddreg [dreg:$0x17];
	[sflag:s0] =	ssyncadd.s32 $0xFFFFFF00  }
0x289: {  	[hbm:s28], [sflag:s2] =	dma.local [spmem:s29], $0x100  }
0x28a: {  	_ =	swait.ge [sflag:s0], $0x100  }
0x28b: {  	s7 =	sadd.s32 $0x1, s7;
	s30 =	rddreg [dreg:$0x11]  }
0x28c: {  	p0 =	seq.s32 s7, s30  }
.Ltmp6:
0x28d: {  	_ = 	snop;
	(pc) =	sbr.rel @!p0 .LBB2_1-.Ltmp6, $3  }
0x28e: {  	_ =	sdelay $0x1  }
0x28f: {  	[sflag:s0] =	ssyncset.done $0x0  }
0x290: {  	[sflag:s0] =	ssyncadd.s32 $0xFFFFFF00  }
0x291: {  	_ =	sfence.sel $0x180000  }
0x292: {  	[bflag:$0x0] =	sbarrier.arrive $0xFFFF  }
0x293: {  	_ =	strace $0x90000047  }
0x294: {  	s0 =	stileid.u32;
	[bflag:$0x2] =	sbarrier.arrive $0xFFFF  }
0x295: {  	p0 =	sne.s32 s0, $0x0;
	s0 =	rddreg [dreg:$0x3]  }
0x296: {  	s0 =	sadd.s32 @!p0 $0x100000, s0  }
0x297: {  	[sflag:s0] =	ssyncadd.tile.s32 @!p0 $0x1;
	_ =	shalt  }
.Lfunc_end2:
_tile_overlayer_lowered:
.L_overlay_start_2:
0x298: {  	(tag) =	ssettag $0x2  }
0x299: {  	s0 =	rddreg [dreg:$0x0];
	s2 =	stileid.u32  }
0x29a: {  	s1 =	rddreg [dreg:$0x1];
	p0 =	sne.s32 s2, $0x0  }
0x29b: {  	s3 =	rddreg [dreg:$0x2];
	[bflag:$0x3] =	sbarrier.arrive $0xFFFF;
	s2 =	simm.s32 @!p0 $0x1C06  }
0x29c: {  	[timem:s3], [sflag:s2] =	dma.local @!p0 [hbm:s0], s1  }
0x29d: {  	s0 =	simm.s32 @!p0 $0x6  }
0x29e: {  	_ =	swait.ge @!p0 [sflag:s0], s1  }
0x29f: {  	s1 =	ssub.s32 @!p0 $0x0, s1;
	[sflag:s0] =	ssyncset.done @!p0 $0x0  }
0x2a0: {  	[sflag:s0] =	ssyncadd.s32 @!p0 s1  }
0x2a1: {  	[bflag:$0x3] =	sbarrier.arrive $0xFFFF  }
0x2a2: {  	_ =	shalt  }

</sc_bundles>
